<compile_context>
chip_gen: v7x
topology: tpu7x:2x2x1
jax: 0.10.2.dev20260603
libtpu: 0.0.44.dev20260713+nightly
codegen_flags: <defaults>
</compile_context>

<pallas_src>
import jax
import jax.numpy as jnp
from jax import lax
from jax.experimental import pallas as pl
from jax.experimental.pallas import tpu as pltpu
from jax.experimental.pallas import tpu_sc as plsc

R = 128
N = 32768
TOPK = 4096
L = 16
NC = 2
NS = 16
NW = NC * NS
ROWS_PER_W = R // NW
CHUNKS = N // L
HBINS = 4096
HPAD = HBINS + L
PB = 24576
OUTW = 96

_LOG1P_COEFS = (
    1.1447097560735031e-05,
    0.9991664010110692,
    -0.48969909032083947,
    0.28382318306531834,
    -0.1299571976582333,
    0.029808765243435193,
)


def _log1p_poly(u):
  c = [jnp.float32(v) for v in _LOG1P_COEFS]
  u2 = u * u
  u4 = u2 * u2
  a = c[0] + u * c[1]
  b = c[2] + u * c[3]
  d = c[4] + u * c[5]
  return a + u2 * b + u4 * d


def _hist_suffix_scan(hist, nbins, target, i16):
  nch = nbins // L
  zero = jnp.int32(0)

  @plsc.parallel_loop(0, nch, unroll=4, carry=(zero, zero, zero, zero))
  def body_a(j, carry):
    cum, cj, cumab, found = carry
    cg = nch - 1 - j
    tot = jnp.sum(hist[pl.ds(cg * L, L)])
    hit = jnp.logical_and(cum + tot >= target, found == 0)
    cj = jnp.where(hit, cg, cj)
    cumab = jnp.where(hit, cum, cumab)
    found = jnp.where(hit, 1, found)
    return cum + tot, cj, cumab, found

  _, cj, cumab, _ = body_a

  hv = hist[pl.ds(cj * L, L)]
  csum = plsc.cumsum(hv)
  tot = jnp.sum(hv)
  mask_l = (cumab + tot - csum + hv) >= target
  n_true = jnp.sum(jnp.where(mask_l, 1, 0))
  lane = n_true - 1
  csum_at = jnp.sum(jnp.where(i16 == lane, csum, 0))
  cnt_at = jnp.sum(jnp.where(i16 == lane, hv, 0))
  b = cj * L + lane
  cnt_above = cumab + tot - csum_at
  return b, cnt_above, cnt_at


def _zero_hist(hist, nbins):
  zeros = jnp.zeros((L,), jnp.int32)

  @plsc.parallel_loop(0, (nbins + L) // L, unroll=8)
  def _(i):
    hist[pl.ds(i * L, L)] = zeros


def _sc_body(x_hbm, t_hbm, out_hbm, xv, tv, kv, hist, posb, outv, semx, semt):
  cid = lax.axis_index("c")
  sid = lax.axis_index("s")
  wid = sid * NC + cid
  i16 = lax.broadcasted_iota(jnp.int32, (L,), 0)
  lane15 = i16 == (L - 1)
  one = jnp.float32(1.0)
  zerov = jnp.zeros((L,), jnp.float32)

  def per_row(j, row_carry):
    a_bce, a_dice, a_c4, a_c5, a_c6 = row_carry
    row = wid * ROWS_PER_W + j
    cpx = pltpu.async_copy(x_hbm.at[row], xv, semx)
    cpt = pltpu.async_copy(t_hbm.at[row], tv, semt)
    _zero_hist(hist, HBINS)
    cpx.wait()
    cpt.wait()

    @plsc.parallel_loop(0, CHUNKS, unroll=8)
    def pass0(c):
      ds = pl.ds(c * L, L)
      xx = xv[ds]
      tt = tv[ds]
      uu = jnp.exp(-jnp.abs(xx))
      b = jnp.maximum(xx, 0.0) - xx * tt + _log1p_poly(uu)
      k = plsc.bitcast(b, jnp.int32)
      kv[ds] = k
      bucket = lax.shift_right_logical(k, 20)
      cnt, last = plsc.scan_count(bucket)
      plsc.addupdate_scatter(hist, [bucket], cnt, mask=last)

    b1, cnt_above1, cnt_b1 = _hist_suffix_scan(
        hist, HBINS, jnp.int32(TOPK), i16)
    r1 = TOPK - cnt_above1

    _zero_hist(hist, 1024)
    dummy = jnp.full((L,), HBINS, jnp.int32)

    @plsc.parallel_loop(0, CHUNKS, unroll=8, carry=jnp.int32(0))
    def pass1b(c, off):
      k = kv[pl.ds(c * L, L)]
      m_sel = lax.shift_right_logical(k, 20) >= b1
      plsc.store_compressed(posb.at[pl.ds(off, L)], c * L + i16,
                            mask=m_sel)
      nv = plsc.all_reduce_population_count(m_sel)
      return off + nv[0]

    cnt_sel = pass1b
    nsc = lax.shift_right_logical(cnt_sel + (L - 1), 4)

    @plsc.parallel_loop(0, nsc, unroll=2)
    def histpass(c):
      base = c * L
      valid = (base + i16) < cnt_sel
      pos = posb[pl.ds(base, L)]
      k = plsc.load_gather(kv, [pos], mask=valid)
      m_cand = jnp.logical_and(
          valid, lax.shift_right_logical(k, 20) == b1)
      bin2 = jnp.where(
          m_cand, jnp.bitwise_and(lax.shift_right_logical(k, 10), 0x3FF),
          dummy)
      cnt, last = plsc.scan_count(bin2)
      plsc.addupdate_scatter(hist, [bin2], cnt, mask=last)

    b2, cnt_above2, cnt_eq = _hist_suffix_scan(hist, 1024, r1, i16)
    r2 = r1 - cnt_above2
    prefix = jnp.bitwise_or(lax.shift_left(b1, 10), b2)
    excess = cnt_eq - r2

    @plsc.parallel_loop(
        0, nsc, unroll=2,
        carry=(a_bce, zerov, zerov, zerov, a_c4, a_c5, a_c6))
    def cstage(c, carry):
      a_bce, s1, s2, s3, a_c4, a_c5, a_c6 = carry
      base = c * L
      pos = posb[pl.ds(base, L)]
      valid = (base + i16) < cnt_sel
      k = plsc.load_gather(kv, [pos], mask=valid)
      xx = plsc.load_gather(xv, [pos], mask=valid)
      tt = plsc.load_gather(tv, [pos], mask=valid)
      m = jnp.logical_and(
          valid, lax.shift_right_logical(k, 10) >= prefix)
      uu = jnp.exp(-jnp.abs(xx))
      sg = jnp.where(xx >= 0.0, one, uu) / (one + uu)
      bcev = plsc.bitcast(k, jnp.float32)
      a_bce = a_bce + jnp.where(m, bcev, 0.0)
      s1 = s1 + jnp.where(m, sg, 0.0)
      s2 = s2 + jnp.where(m, tt, 0.0)
      s3 = s3 + jnp.where(m, sg * tt, 0.0)
      pp = xx > 0.0
      gp = tt > 0.0
      a_c4 = a_c4 + plsc.all_reduce_population_count(
          jnp.logical_and(m, pp))
      a_c5 = a_c5 + plsc.all_reduce_population_count(
          jnp.logical_and(m, gp))
      a_c6 = a_c6 + plsc.all_reduce_population_count(
          jnp.logical_and(m, jnp.logical_or(pp, gp)))
      return a_bce, s1, s2, s3, a_c4, a_c5, a_c6

    a_bce, s1, s2, s3, a_c4, a_c5, a_c6 = cstage

    thr_mid = plsc.bitcast(
        jnp.full((L,), 1, jnp.int32) * jnp.bitwise_or(
            lax.shift_left(prefix, 10), 512), jnp.float32)
    excess_v = jnp.full((L,), 1, jnp.int32) * excess
    a_bce = a_bce - jnp.where(lane15,
                              excess_v.astype(jnp.float32) * thr_mid, 0.0)

    t1 = plsc.cumsum(s1)
    t2 = plsc.cumsum(s2)
    t3 = plsc.cumsum(s3)
    d = one - (2.0 * t3 + one) / (t1 + t2 + one)
    a_dice = a_dice + jnp.where(lane15, d, 0.0)
    return a_bce, a_dice, a_c4, a_c5, a_c6

  zeroi = jnp.zeros((L,), jnp.int32)
  acc = (zerov, zerov, zeroi, zeroi, zeroi)
  a_bce, a_dice, a_c4, a_c5, a_c6 = lax.fori_loop(
      0, ROWS_PER_W, per_row, acc)

  outv[pl.ds(0, L)] = a_bce
  outv[pl.ds(L, L)] = a_dice
  outv[pl.ds(2 * L, L)] = jnp.where(lane15, a_c4.astype(jnp.float32), 0.0)
  outv[pl.ds(3 * L, L)] = jnp.where(lane15, a_c5.astype(jnp.float32), 0.0)
  outv[pl.ds(4 * L, L)] = jnp.where(lane15, a_c6.astype(jnp.float32), 0.0)
  outv[pl.ds(5 * L, L)] = jnp.zeros((L,), jnp.float32)
  pltpu.sync_copy(outv, out_hbm.at[wid])


def _combine_body(p_ref, o_ref):
  p = p_ref[...]
  i = lax.broadcasted_iota(jnp.int32, (1, 128), 1)
  scale = jnp.float32(1.0 / (R * TOPK))
  vals = (
      jnp.where(i == 0, jnp.sum(p[:, 0:L]) * scale, 0.0)
      + jnp.where(i == 1, jnp.sum(p[:, L:2 * L]) * jnp.float32(1.0 / R), 0.0)
      + jnp.where(i == 2, jnp.sum(p[:, 2 * L:3 * L]) * scale, 0.0)
      + jnp.where(i == 3, jnp.sum(p[:, 3 * L:4 * L]) * scale, 0.0)
      + jnp.where(i == 4, jnp.sum(p[:, 4 * L:5 * L]) * scale, 0.0)
  )
  o_ref[...] = vals


@jax.jit
def _run(out_mask, tgt_mask):
  mesh = plsc.VectorSubcoreMesh(core_axis_name="c", subcore_axis_name="s")
  sc_fn = pl.kernel(
      _sc_body,
      out_type=jax.ShapeDtypeStruct((NW, OUTW), jnp.float32),
      mesh=mesh,
      compiler_params=pltpu.CompilerParams(needs_layout_passes=False),
      scratch_types=[
          pltpu.VMEM((N,), jnp.float32),
          pltpu.VMEM((N,), jnp.float32),
          pltpu.VMEM((N,), jnp.int32),
          pltpu.VMEM((HPAD,), jnp.int32),
          pltpu.VMEM((PB,), jnp.int32),
          pltpu.VMEM((OUTW,), jnp.float32),
          pltpu.SemaphoreType.DMA,
          pltpu.SemaphoreType.DMA,
      ],
  )
  partials = sc_fn(out_mask, tgt_mask)
  out = pl.pallas_call(
      _combine_body,
      out_shape=jax.ShapeDtypeStruct((1, 128), jnp.float32),
  )(partials)
  return out[0, :5]


def kernel(key, out_mask, tgt_mask):
  del key
  return _run(out_mask, tgt_mask)

# --- scband reference (transcript-rebuilt; emitter-appended) ---
"""Pipeline reference for scband-mask-criterion-24481313587590 (READ-ONLY COPY).

The authoritative reference and input builder live on the scoring server;
editing this copy changes nothing except your own understanding.
"""

import jax, jax.numpy as jnp
import numpy as np

TOP_K = 4096


def bce_with_logits(x, t):
    # numerically-stable binary_cross_entropy_with_logits, reduction='none'
    return jnp.maximum(x, 0.0) - x * t + jnp.log1p(jnp.exp(-jnp.abs(x)))


def dice_loss(pred, target, num_objs):
    pred = jax.nn.sigmoid(pred)
    numerator = 2.0 * (pred * target).sum(-1)
    denominator = pred.sum(-1) + target.sum(-1)
    loss = 1.0 - (numerator + 1.0) / (denominator + 1.0)
    return loss.sum() / num_objs


def setup_inputs() -> dict:
    key0 = jax.random.key(0)
    k1, k2 = jax.random.split(key0)
    out_mask = jax.random.normal(k1, (128, 32768), dtype=jnp.float32)
    tgt_mask = jax.random.uniform(k2, (128, 32768), dtype=jnp.float32)
    return {"key": 1, "out_mask": out_mask, "tgt_mask": tgt_mask}


def reference(key, out_mask, tgt_mask):
    # `key` is only a string/int prefix for loss-dict naming in the original; ignored for math.
    num_objs = jnp.asarray(max(out_mask.shape[0], 1), dtype=jnp.float32)
    bce = bce_with_logits(out_mask, tgt_mask)
    bce_topk, topk_ids = jax.lax.top_k(bce, TOP_K)
    om = jnp.take_along_axis(out_mask, topk_ids, axis=1)
    tm = jnp.take_along_axis(tgt_mask, topk_ids, axis=1)
    bce_val = bce_topk.sum() / (num_objs * bce_topk.shape[1])
    dice_val = dice_loss(om, tm, num_objs)
    s_pred_pos = (om > 0).astype(jnp.float32).mean()
    s_gt_pos = (tm > 0).astype(jnp.float32).mean()
    s_hard_neg = ((om > 0) | (tm > 0)).astype(jnp.float32).mean()
    # [bce_loss, dice_loss, topk_pred_pos_ratio, topk_gt_pos_ratio, topk_hard_neg_ratio]
    return jnp.stack([bce_val, dice_val, s_pred_pos, s_gt_pos, s_hard_neg])

if __name__ == "__main__":
    import jax
    _d = setup_inputs()
    print(jax.jit(kernel)(*tuple(_d.values())))

</pallas_src>

<mosaic_0001>
#map = affine_map<(d0, d1) -> (0, 0)>
module attributes {stable_mosaic.version = 14 : i64} {
  func.func @_sc_body(%arg0: i32, %arg1: i32, %arg2: memref<128x32768xf32, #tpu.memory_space<hbm>>, %arg3: memref<128x32768xf32, #tpu.memory_space<hbm>>, %arg4: memref<32x96xf32, #tpu.memory_space<hbm>>, %arg5: memref<32768xf32, #tpu.memory_space<vmem>>, %arg6: memref<32768xf32, #tpu.memory_space<vmem>>, %arg7: memref<32768xi32, #tpu.memory_space<vmem>>, %arg8: memref<4112xi32, #tpu.memory_space<vmem>>, %arg9: memref<24576xi32, #tpu.memory_space<vmem>>, %arg10: memref<96xf32, #tpu.memory_space<vmem>>, %arg11: memref<!tpu.dma_semaphore, #tpu.memory_space<semaphore_mem>>, %arg12: memref<!tpu.dma_semaphore, #tpu.memory_space<semaphore_mem>>) attributes {dimension_semantics = [#tpu.dimension_semantics<core_parallel>, #tpu.dimension_semantics<subcore_parallel>], iteration_bounds = array<i64: 2, 16>, scalar_prefetch = 0 : i64, scratch_operands = 8 : i64, tpu.core_type = #tpu.core_type<sc_vector_subcore>, window_params = [{transform_indices = #map}, {transform_indices = #map}, {transform_indices = #map}]} {
    %mul3A = arith.constant 2 : i32
    %mul3A_0 = arith.muli %arg1, %mul3A : i32
    %add3A = arith.addi %mul3A_0, %arg0 : i32
    %iota3A = tpu.iota {dimensions = array<i32: 0>} : vector<16xi32>
    %eq3A = arith.constant 15 : i32
    %eq3A_1 = vector.broadcast %eq3A : i32 to vector<16xi32>
    %eq3A_2 = arith.cmpi eq, %iota3A, %eq3A_1 : vector<16xi32>
    %broadcast_in_dim3A = arith.constant 0.000000e+00 : f32
    %broadcast_in_dim3A_3 = vector.broadcast %broadcast_in_dim3A : f32 to vector<16xf32>
    %broadcast_in_dim3A_4 = arith.constant 0 : i32
    %broadcast_in_dim3A_5 = vector.broadcast %broadcast_in_dim3A_4 : i32 to vector<16xi32>
    %scan3A = arith.constant 1.000000e+00 : f32
    %scan3A_6 = arith.constant 0 : i32
    %scan3A_7 = arith.constant 4 : i32
    %scan3A_8 = arith.addi %scan3A_6, %scan3A_7 : i32
    %scan3A_9 = arith.constant 1 : i32
    %scan3A_10:5 = scf.for %scan3A_34 = %scan3A_6 to %scan3A_8 step %scan3A_9 iter_args(%scan3A_35 = %broadcast_in_dim3A_3, %scan3A_36 = %broadcast_in_dim3A_3, %scan3A_37 = %broadcast_in_dim3A_5, %scan3A_38 = %broadcast_in_dim3A_5, %scan3A_39 = %broadcast_in_dim3A_5) -> (vector<16xf32>, vector<16xf32>, vector<16xi32>, vector<16xi32>, vector<16xi32>)  : i32 {
      %mul3A_40 = arith.constant 4 : i32
      %mul3A_41 = arith.muli %add3A, %mul3A_40 : i32
      %add3A_42 = arith.addi %mul3A_41, %scan3A_34 : i32
      %dma_start3A = arith.constant 0 : i32
      %dma_start3A_43 = tpu.memref_slice %arg2[%add3A_42, %dma_start3A] : memref<128x32768xf32, #tpu.memory_space<hbm>> -> memref<1x32768xf32, #tpu.memory_space<hbm>>
      %dma_start3A_44 = tpu.memref_squeeze %dma_start3A_43 : memref<1x32768xf32, #tpu.memory_space<hbm>> -> memref<32768xf32, #tpu.memory_space<hbm>>
      %dma_start3A_45 = arith.constant 0 : i32
      %dma_start3A_46 = tpu.memref_slice %arg2[%add3A_42, %dma_start3A_45] : memref<128x32768xf32, #tpu.memory_space<hbm>> -> memref<1x32768xf32, #tpu.memory_space<hbm>>
      %dma_start3A_47 = tpu.memref_squeeze %dma_start3A_46 : memref<1x32768xf32, #tpu.memory_space<hbm>> -> memref<32768xf32, #tpu.memory_space<hbm>>
      tpu.enqueue_dma source(%dma_start3A_47 : memref<32768xf32, #tpu.memory_space<hbm>>) target(%arg5 : memref<32768xf32, #tpu.memory_space<vmem>>) target_semaphore(%arg11 : memref<!tpu.dma_semaphore, #tpu.memory_space<semaphore_mem>>)
      %dma_start3A_48 = arith.constant 0 : i32
      %dma_start3A_49 = tpu.memref_slice %arg3[%add3A_42, %dma_start3A_48] : memref<128x32768xf32, #tpu.memory_space<hbm>> -> memref<1x32768xf32, #tpu.memory_space<hbm>>
      %dma_start3A_50 = tpu.memref_squeeze %dma_start3A_49 : memref<1x32768xf32, #tpu.memory_space<hbm>> -> memref<32768xf32, #tpu.memory_space<hbm>>
      %dma_start3A_51 = arith.constant 0 : i32
      %dma_start3A_52 = tpu.memref_slice %arg3[%add3A_42, %dma_start3A_51] : memref<128x32768xf32, #tpu.memory_space<hbm>> -> memref<1x32768xf32, #tpu.memory_space<hbm>>
      %dma_start3A_53 = tpu.memref_squeeze %dma_start3A_52 : memref<1x32768xf32, #tpu.memory_space<hbm>> -> memref<32768xf32, #tpu.memory_space<hbm>>
      tpu.enqueue_dma source(%dma_start3A_53 : memref<32768xf32, #tpu.memory_space<hbm>>) target(%arg6 : memref<32768xf32, #tpu.memory_space<vmem>>) target_semaphore(%arg12 : memref<!tpu.dma_semaphore, #tpu.memory_space<semaphore_mem>>)
      %broadcast_in_dim3A_54 = arith.constant 0 : i32
      %broadcast_in_dim3A_55 = vector.broadcast %broadcast_in_dim3A_54 : i32 to vector<16xi32>
      %parallel_loop3A = arith.constant 0 : i32
      %parallel_loop3A_56 = arith.constant 257 : i32
      %parallel_loop3A_57 = arith.constant 1 : i32
      scf.for %parallel_loop3A_253 = %parallel_loop3A to %parallel_loop3A_56 step %parallel_loop3A_57  : i32 {
        %parallel_loop3A_254 = arith.constant 16 : i32
        %parallel_loop3A_255 = arith.muli %parallel_loop3A_253, %parallel_loop3A_254 : i32
        %parallel_loop3A_256 = arith.index_cast %parallel_loop3A_255 : i32 to index
        %parallel_loop3A_257 = tpu.vector_load %arg8[%parallel_loop3A_256] {strides = array<i32>} : memref<4112xi32, #tpu.memory_space<vmem>>, vector<16xi32>,
        tpu.vector_store %arg8[%parallel_loop3A_256], %broadcast_in_dim3A_55 {strides = array<i32>} : memref<4112xi32, #tpu.memory_space<vmem>>, vector<16xi32>,
      } {sc.loop_unroll_factor = 8 : i64, sc.parallel_access}
      %dma_wait3A = arith.constant 0 : i32
      %dma_wait3A_58 = tpu.memref_slice %arg2[%add3A_42, %dma_wait3A] : memref<128x32768xf32, #tpu.memory_space<hbm>> -> memref<1x32768xf32, #tpu.memory_space<hbm>>
      %dma_wait3A_59 = tpu.memref_squeeze %dma_wait3A_58 : memref<1x32768xf32, #tpu.memory_space<hbm>> -> memref<32768xf32, #tpu.memory_space<hbm>>
      %dma_wait3A_60 = arith.constant 0 : i32
      %dma_wait3A_61 = tpu.memref_slice %arg2[%add3A_42, %dma_wait3A_60] : memref<128x32768xf32, #tpu.memory_space<hbm>> -> memref<1x32768xf32, #tpu.memory_space<hbm>>
      %dma_wait3A_62 = tpu.memref_squeeze %dma_wait3A_61 : memref<1x32768xf32, #tpu.memory_space<hbm>> -> memref<32768xf32, #tpu.memory_space<hbm>>
      tpu.wait_dma2 semaphore(%arg11 : memref<!tpu.dma_semaphore, #tpu.memory_space<semaphore_mem>>) src(%dma_wait3A_62 : memref<32768xf32, #tpu.memory_space<hbm>>) dst(%arg5 : memref<32768xf32, #tpu.memory_space<vmem>>)
      %dma_wait3A_63 = arith.constant 0 : i32
      %dma_wait3A_64 = tpu.memref_slice %arg3[%add3A_42, %dma_wait3A_63] : memref<128x32768xf32, #tpu.memory_space<hbm>> -> memref<1x32768xf32, #tpu.memory_space<hbm>>
      %dma_wait3A_65 = tpu.memref_squeeze %dma_wait3A_64 : memref<1x32768xf32, #tpu.memory_space<hbm>> -> memref<32768xf32, #tpu.memory_space<hbm>>
      %dma_wait3A_66 = arith.constant 0 : i32
      %dma_wait3A_67 = tpu.memref_slice %arg3[%add3A_42, %dma_wait3A_66] : memref<128x32768xf32, #tpu.memory_space<hbm>> -> memref<1x32768xf32, #tpu.memory_space<hbm>>
      %dma_wait3A_68 = tpu.memref_squeeze %dma_wait3A_67 : memref<1x32768xf32, #tpu.memory_space<hbm>> -> memref<32768xf32, #tpu.memory_space<hbm>>
      tpu.wait_dma2 semaphore(%arg12 : memref<!tpu.dma_semaphore, #tpu.memory_space<semaphore_mem>>) src(%dma_wait3A_68 : memref<32768xf32, #tpu.memory_space<hbm>>) dst(%arg6 : memref<32768xf32, #tpu.memory_space<vmem>>)
      %parallel_loop3A_69 = arith.constant 0 : i32
      %parallel_loop3A_70 = arith.constant 2048 : i32
      %parallel_loop3A_71 = arith.constant 1 : i32
      scf.for %parallel_loop3A_253 = %parallel_loop3A_69 to %parallel_loop3A_70 step %parallel_loop3A_71  : i32 {
        %parallel_loop3A_254 = arith.constant 16 : i32
        %parallel_loop3A_255 = arith.muli %parallel_loop3A_253, %parallel_loop3A_254 : i32
        %parallel_loop3A_256 = arith.index_cast %parallel_loop3A_255 : i32 to index
        %parallel_loop3A_257 = tpu.vector_load %arg5[%parallel_loop3A_256] {strides = array<i32>} : memref<32768xf32, #tpu.memory_space<vmem>>, vector<16xf32>,
        %parallel_loop3A_258 = arith.index_cast %parallel_loop3A_255 : i32 to index
        %parallel_loop3A_259 = tpu.vector_load %arg6[%parallel_loop3A_258] {strides = array<i32>} : memref<32768xf32, #tpu.memory_space<vmem>>, vector<16xf32>,
        %parallel_loop3A_260 = math.absf %parallel_loop3A_257 : vector<16xf32>
        %parallel_loop3A_261 = arith.constant 0.000000e+00 : f32
        %parallel_loop3A_262 = vector.broadcast %parallel_loop3A_261 : f32 to vector<16xf32>
        %parallel_loop3A_263 = arith.subf %parallel_loop3A_262, %parallel_loop3A_260 : vector<16xf32>
        %parallel_loop3A_264 = math.exp %parallel_loop3A_263 : vector<16xf32>
        %parallel_loop3A_265 = arith.constant 0.000000e+00 : f32
        %parallel_loop3A_266 = vector.broadcast %parallel_loop3A_265 : f32 to vector<16xf32>
        %parallel_loop3A_267 = arith.maximumf %parallel_loop3A_257, %parallel_loop3A_266 : vector<16xf32>
        %parallel_loop3A_268 = arith.mulf %parallel_loop3A_257, %parallel_loop3A_259 : vector<16xf32>
        %parallel_loop3A_269 = arith.subf %parallel_loop3A_267, %parallel_loop3A_268 : vector<16xf32>
        %parallel_loop3A_270 = arith.mulf %parallel_loop3A_264, %parallel_loop3A_264 : vector<16xf32>
        %parallel_loop3A_271 = arith.mulf %parallel_loop3A_270, %parallel_loop3A_270 : vector<16xf32>
        %parallel_loop3A_272 = arith.constant 0.999166429 : f32
        %parallel_loop3A_273 = vector.broadcast %parallel_loop3A_272 : f32 to vector<16xf32>
        %parallel_loop3A_274 = arith.mulf %parallel_loop3A_264, %parallel_loop3A_273 : vector<16xf32>
        %parallel_loop3A_275 = arith.constant 1.14470977E-5 : f32
        %parallel_loop3A_276 = vector.broadcast %parallel_loop3A_275 : f32 to vector<16xf32>
        %parallel_loop3A_277 = arith.addf %parallel_loop3A_276, %parallel_loop3A_274 : vector<16xf32>
        %parallel_loop3A_278 = arith.constant 0.283823192 : f32
        %parallel_loop3A_279 = vector.broadcast %parallel_loop3A_278 : f32 to vector<16xf32>
        %parallel_loop3A_280 = arith.mulf %parallel_loop3A_264, %parallel_loop3A_279 : vector<16xf32>
        %parallel_loop3A_281 = arith.constant -0.489699095 : f32
        %parallel_loop3A_282 = vector.broadcast %parallel_loop3A_281 : f32 to vector<16xf32>
        %parallel_loop3A_283 = arith.addf %parallel_loop3A_282, %parallel_loop3A_280 : vector<16xf32>
        %parallel_loop3A_284 = arith.constant 0.0298087653 : f32
        %parallel_loop3A_285 = vector.broadcast %parallel_loop3A_284 : f32 to vector<16xf32>
        %parallel_loop3A_286 = arith.mulf %parallel_loop3A_264, %parallel_loop3A_285 : vector<16xf32>
        %parallel_loop3A_287 = arith.constant -0.129957199 : f32
        %parallel_loop3A_288 = vector.broadcast %parallel_loop3A_287 : f32 to vector<16xf32>
        %parallel_loop3A_289 = arith.addf %parallel_loop3A_288, %parallel_loop3A_286 : vector<16xf32>
        %parallel_loop3A_290 = arith.mulf %parallel_loop3A_270, %parallel_loop3A_283 : vector<16xf32>
        %parallel_loop3A_291 = arith.addf %parallel_loop3A_277, %parallel_loop3A_290 : vector<16xf32>
        %parallel_loop3A_292 = arith.mulf %parallel_loop3A_271, %parallel_loop3A_289 : vector<16xf32>
        %parallel_loop3A_293 = arith.addf %parallel_loop3A_291, %parallel_loop3A_292 : vector<16xf32>
        %parallel_loop3A_294 = arith.addf %parallel_loop3A_269, %parallel_loop3A_293 : vector<16xf32>
        %parallel_loop3A_295 = vector.bitcast %parallel_loop3A_294 : vector<16xf32> to vector<16xi32>
        %parallel_loop3A_296 = arith.index_cast %parallel_loop3A_255 : i32 to index
        %parallel_loop3A_297 = tpu.vector_load %arg7[%parallel_loop3A_296] {strides = array<i32>} : memref<32768xi32, #tpu.memory_space<vmem>>, vector<16xi32>,
        tpu.vector_store %arg7[%parallel_loop3A_296], %parallel_loop3A_295 {strides = array<i32>} : memref<32768xi32, #tpu.memory_space<vmem>>, vector<16xi32>,
        %parallel_loop3A_298 = arith.constant 20 : i32
        %parallel_loop3A_299 = vector.broadcast %parallel_loop3A_298 : i32 to vector<16xi32>
        %parallel_loop3A_300 = arith.shrui %parallel_loop3A_295, %parallel_loop3A_299 : vector<16xi32>
        %parallel_loop3A_301 = arith.constant true
        %parallel_loop3A_302 = vector.broadcast %parallel_loop3A_301 : i1 to vector<16xi1>
        %parallel_loop3A_303, %parallel_loop3A_304 = tpu.scan_count mask(%parallel_loop3A_302 : vector<16xi1>) value(%parallel_loop3A_300 : vector<16xi32>) : vector<16xi1>, vector<16xi32>
        tpu.vector_store_idx %arg8[%parallel_loop3A_300], %parallel_loop3A_304 masked %parallel_loop3A_303 {add = true} : memref<4112xi32, #tpu.memory_space<vmem>>[vector<16xi32>], vector<16xi32>, vector<16xi1>
      } {sc.loop_unroll_factor = 8 : i64, sc.parallel_access}
      %parallel_loop3A_72 = arith.constant 0 : i32
      %parallel_loop3A_73 = arith.constant 256 : i32
      %parallel_loop3A_74 = arith.constant 1 : i32
      %parallel_loop3A_75 = arith.constant 4096 : i32
      %parallel_loop3A_76 = arith.constant 0 : i32
      %parallel_loop3A_77 = arith.constant 0 : i32
      %parallel_loop3A_78 = arith.constant 0 : i32
      %parallel_loop3A_79 = arith.constant 0 : i32
      %parallel_loop3A_80:4 = scf.for %parallel_loop3A_253 = %parallel_loop3A_72 to %parallel_loop3A_73 step %parallel_loop3A_74 iter_args(%parallel_loop3A_254 = %parallel_loop3A_76, %parallel_loop3A_255 = %parallel_loop3A_77, %parallel_loop3A_256 = %parallel_loop3A_78, %parallel_loop3A_257 = %parallel_loop3A_79) -> (i32, i32, i32, i32)  : i32 {
        %parallel_loop3A_258 = arith.constant 255 : i32
        %parallel_loop3A_259 = arith.subi %parallel_loop3A_258, %parallel_loop3A_253 : i32
        %parallel_loop3A_260 = arith.constant 16 : i32
        %parallel_loop3A_261 = arith.muli %parallel_loop3A_259, %parallel_loop3A_260 : i32
        %parallel_loop3A_262 = arith.index_cast %parallel_loop3A_261 : i32 to index
        %parallel_loop3A_263 = tpu.vector_load %arg8[%parallel_loop3A_262] {strides = array<i32>} : memref<4112xi32, #tpu.memory_space<vmem>>, vector<16xi32>,
        %parallel_loop3A_264 = arith.constant true
        %parallel_loop3A_265 = vector.broadcast %parallel_loop3A_264 : i1 to vector<16xi1>
        %parallel_loop3A_266 = tpu.scan <sum>, %parallel_loop3A_263 masked %parallel_loop3A_265 : vector<16xi32>, vector<16xi1> -> vector<16xi32>
        %parallel_loop3A_267 = vector.extract %parallel_loop3A_266[15] : i32 from vector<16xi32>
        %parallel_loop3A_268 = arith.addi %parallel_loop3A_254, %parallel_loop3A_267 : i32
        %parallel_loop3A_269 = arith.cmpi sge, %parallel_loop3A_268, %parallel_loop3A_75 : i32
        %parallel_loop3A_270 = arith.constant 0 : i32
        %parallel_loop3A_271 = arith.cmpi eq, %parallel_loop3A_257, %parallel_loop3A_270 : i32
        %parallel_loop3A_272 = arith.andi %parallel_loop3A_269, %parallel_loop3A_271 : i1
        %parallel_loop3A_273 = arith.select %parallel_loop3A_272, %parallel_loop3A_259, %parallel_loop3A_255 : i32
        %parallel_loop3A_274 = arith.select %parallel_loop3A_272, %parallel_loop3A_254, %parallel_loop3A_256 : i32
        %parallel_loop3A_275 = arith.constant 1 : i32
        %parallel_loop3A_276 = arith.select %parallel_loop3A_272, %parallel_loop3A_275, %parallel_loop3A_257 : i32
        %parallel_loop3A_277 = arith.addi %parallel_loop3A_254, %parallel_loop3A_267 : i32
        scf.yield %parallel_loop3A_277, %parallel_loop3A_273, %parallel_loop3A_274, %parallel_loop3A_276 : i32, i32, i32, i32
      } {sc.loop_unroll_factor = 4 : i64, sc.parallel_access}
      %mul3A_81 = arith.constant 16 : i32
      %mul3A_82 = arith.muli %parallel_loop3A_80#1, %mul3A_81 : i32
      %get3A = arith.index_cast %mul3A_82 : i32 to index
      %get3A_83 = tpu.vector_load %arg8[%get3A] {strides = array<i32>} : memref<4112xi32, #tpu.memory_space<vmem>>, vector<16xi32>,
      %broadcast_in_dim3A_84 = arith.constant true
      %broadcast_in_dim3A_85 = vector.broadcast %broadcast_in_dim3A_84 : i1 to vector<16xi1>
      %masked_cumsum3A = tpu.scan <sum>, %get3A_83 masked %broadcast_in_dim3A_85 : vector<16xi32>, vector<16xi1> -> vector<16xi32>
      %reduce_sum3A = arith.constant true
      %reduce_sum3A_86 = vector.broadcast %reduce_sum3A : i1 to vector<16xi1>
      %reduce_sum3A_87 = tpu.scan <sum>, %get3A_83 masked %reduce_sum3A_86 : vector<16xi32>, vector<16xi1> -> vector<16xi32>
      %reduce_sum3A_88 = vector.extract %reduce_sum3A_87[15] : i32 from vector<16xi32>
      %add3A_89 = arith.addi %parallel_loop3A_80#2, %reduce_sum3A_88 : i32
      %sub3A = vector.broadcast %add3A_89 : i32 to vector<16xi32>
      %sub3A_90 = arith.subi %sub3A, %masked_cumsum3A : vector<16xi32>
      %add3A_91 = arith.addi %sub3A_90, %get3A_83 : vector<16xi32>
      %ge3A = arith.constant 4096 : i32
      %ge3A_92 = vector.broadcast %ge3A : i32 to vector<16xi32>
      %ge3A_93 = arith.cmpi sge, %add3A_91, %ge3A_92 : vector<16xi32>
      %jit3A_94 = arith.constant 1 : i32
      %jit3A_95 = arith.constant 0 : i32
      %broadcast_in_dim3A_96 = vector.broadcast %jit3A_94 : i32 to vector<16xi32>
      %broadcast_in_dim3A_97 = vector.broadcast %jit3A_95 : i32 to vector<16xi32>
      %select_n3A_98 = arith.select %ge3A_93, %broadcast_in_dim3A_96, %broadcast_in_dim3A_97 : vector<16xi1>, vector<16xi32>
      %reduce_sum3A_99 = arith.constant true
      %reduce_sum3A_100 = vector.broadcast %reduce_sum3A_99 : i1 to vector<16xi1>
      %reduce_sum3A_101 = tpu.scan <sum>, %select_n3A_98 masked %reduce_sum3A_100 : vector<16xi32>, vector<16xi1> -> vector<16xi32>
      %reduce_sum3A_102 = vector.extract %reduce_sum3A_101[15] : i32 from vector<16xi32>
      %sub3A_103 = arith.constant 1 : i32
      %sub3A_104 = arith.subi %reduce_sum3A_102, %sub3A_103 : i32
      %eq3A_105 = vector.broadcast %sub3A_104 : i32 to vector<16xi32>
      %eq3A_106 = arith.cmpi eq, %iota3A, %eq3A_105 : vector<16xi32>
      %jit3A_107 = arith.constant 0 : i32
      %broadcast_in_dim3A_108 = vector.broadcast %jit3A_107 : i32 to vector<16xi32>
      %select_n3A_109 = arith.select %eq3A_106, %masked_cumsum3A, %broadcast_in_dim3A_108 : vector<16xi1>, vector<16xi32>
      %reduce_sum3A_110 = arith.constant true
      %reduce_sum3A_111 = vector.broadcast %reduce_sum3A_110 : i1 to vector<16xi1>
      %reduce_sum3A_112 = tpu.scan <sum>, %select_n3A_109 masked %reduce_sum3A_111 : vector<16xi32>, vector<16xi1> -> vector<16xi32>
      %reduce_sum3A_113 = vector.extract %reduce_sum3A_112[15] : i32 from vector<16xi32>
      %eq3A_114 = vector.broadcast %sub3A_104 : i32 to vector<16xi32>
      %eq3A_115 = arith.cmpi eq, %iota3A, %eq3A_114 : vector<16xi32>
      %jit3A_116 = arith.constant 0 : i32
      %broadcast_in_dim3A_117 = vector.broadcast %jit3A_116 : i32 to vector<16xi32>
      %select_n3A_118 = arith.select %eq3A_115, %get3A_83, %broadcast_in_dim3A_117 : vector<16xi1>, vector<16xi32>
      %reduce_sum3A_119 = arith.constant true
      %reduce_sum3A_120 = vector.broadcast %reduce_sum3A_119 : i1 to vector<16xi1>
      %reduce_sum3A_121 = tpu.scan <sum>, %select_n3A_118 masked %reduce_sum3A_120 : vector<16xi32>, vector<16xi1> -> vector<16xi32>
      %reduce_sum3A_122 = vector.extract %reduce_sum3A_121[15] : i32 from vector<16xi32>
      %mul3A_123 = arith.constant 16 : i32
      %mul3A_124 = arith.muli %parallel_loop3A_80#1, %mul3A_123 : i32
      %add3A_125 = arith.addi %mul3A_124, %sub3A_104 : i32
      %add3A_126 = arith.addi %parallel_loop3A_80#2, %reduce_sum3A_88 : i32
      %sub3A_127 = arith.subi %add3A_126, %reduce_sum3A_113 : i32
      %sub3A_128 = arith.constant 4096 : i32
      %sub3A_129 = arith.subi %sub3A_128, %sub3A_127 : i32
      %broadcast_in_dim3A_130 = arith.constant 0 : i32
      %broadcast_in_dim3A_131 = vector.broadcast %broadcast_in_dim3A_130 : i32 to vector<16xi32>
      %parallel_loop3A_132 = arith.constant 0 : i32
      %parallel_loop3A_133 = arith.constant 65 : i32
      %parallel_loop3A_134 = arith.constant 1 : i32
      scf.for %parallel_loop3A_253 = %parallel_loop3A_132 to %parallel_loop3A_133 step %parallel_loop3A_134  : i32 {
        %parallel_loop3A_254 = arith.constant 16 : i32
        %parallel_loop3A_255 = arith.muli %parallel_loop3A_253, %parallel_loop3A_254 : i32
        %parallel_loop3A_256 = arith.index_cast %parallel_loop3A_255 : i32 to index
        %parallel_loop3A_257 = tpu.vector_load %arg8[%parallel_loop3A_256] {strides = array<i32>} : memref<4112xi32, #tpu.memory_space<vmem>>, vector<16xi32>,
        tpu.vector_store %arg8[%parallel_loop3A_256], %broadcast_in_dim3A_131 {strides = array<i32>} : memref<4112xi32, #tpu.memory_space<vmem>>, vector<16xi32>,
      } {sc.loop_unroll_factor = 8 : i64, sc.parallel_access}
      %broadcast_in_dim3A_135 = arith.constant 4096 : i32
      %broadcast_in_dim3A_136 = vector.broadcast %broadcast_in_dim3A_135 : i32 to vector<16xi32>
      %parallel_loop3A_137 = arith.constant 0 : i32
      %parallel_loop3A_138 = arith.constant 2048 : i32
      %parallel_loop3A_139 = arith.constant 1 : i32
      %parallel_loop3A_140 = arith.constant 0 : i32
      %parallel_loop3A_141 = scf.for %parallel_loop3A_253 = %parallel_loop3A_137 to %parallel_loop3A_138 step %parallel_loop3A_139 iter_args(%parallel_loop3A_254 = %parallel_loop3A_140) -> (i32)  : i32 {
        %parallel_loop3A_255 = arith.constant 16 : i32
        %parallel_loop3A_256 = arith.muli %parallel_loop3A_253, %parallel_loop3A_255 : i32
        %parallel_loop3A_257 = arith.index_cast %parallel_loop3A_256 : i32 to index
        %parallel_loop3A_258 = tpu.vector_load %arg7[%parallel_loop3A_257] {strides = array<i32>} : memref<32768xi32, #tpu.memory_space<vmem>>, vector<16xi32>,
        %parallel_loop3A_259 = arith.constant 20 : i32
        %parallel_loop3A_260 = vector.broadcast %parallel_loop3A_259 : i32 to vector<16xi32>
        %parallel_loop3A_261 = arith.shrui %parallel_loop3A_258, %parallel_loop3A_260 : vector<16xi32>
        %parallel_loop3A_262 = vector.broadcast %add3A_125 : i32 to vector<16xi32>
        %parallel_loop3A_263 = arith.cmpi sge, %parallel_loop3A_261, %parallel_loop3A_262 : vector<16xi32>
        %parallel_loop3A_264 = arith.constant 16 : i32
        %parallel_loop3A_265 = arith.muli %parallel_loop3A_253, %parallel_loop3A_264 : i32
        %parallel_loop3A_266 = vector.broadcast %parallel_loop3A_265 : i32 to vector<16xi32>
        %parallel_loop3A_267 = arith.addi %parallel_loop3A_266, %iota3A : vector<16xi32>
        %parallel_loop3A_268 = arith.index_cast %parallel_loop3A_254 : i32 to index
        %parallel_loop3A_269 = tpu.vector_load %arg9[%parallel_loop3A_268] masked %parallel_loop3A_263 {strides = array<i32>} : memref<24576xi32, #tpu.memory_space<vmem>>, vector<16xi32>, vector<16xi1>
        tpu.vector_store %arg9[%parallel_loop3A_268], %parallel_loop3A_267 masked %parallel_loop3A_263 {strides = array<i32>} : memref<24576xi32, #tpu.memory_space<vmem>>, vector<16xi32>, vector<16xi1>
        %parallel_loop3A_270 = tpu.all_reduce %parallel_loop3A_263 {dim = 0 : i64, kind = #tpu.reduction_kind<sum>} : vector<16xi1> -> vector<16xi32>
        %parallel_loop3A_271 = vector.extract_strided_slice %parallel_loop3A_270 {offsets = [0], sizes = [1], strides = [1]} : vector<16xi32> to vector<1xi32>
        %parallel_loop3A_272 = vector.extract %parallel_loop3A_271[0] : i32 from vector<1xi32>
        %parallel_loop3A_273 = arith.addi %parallel_loop3A_254, %parallel_loop3A_272 : i32
        scf.yield %parallel_loop3A_273 : i32
      } {sc.loop_unroll_factor = 8 : i64, sc.parallel_access}
      %add3A_142 = arith.constant 15 : i32
      %add3A_143 = arith.addi %parallel_loop3A_141, %add3A_142 : i32
      %shift_right_logical3A = arith.constant 4 : i32
      %shift_right_logical3A_144 = arith.shrui %add3A_143, %shift_right_logical3A : i32
      %parallel_loop3A_145 = arith.constant 0 : i32
      %parallel_loop3A_146 = arith.constant 1 : i32
      scf.for %parallel_loop3A_253 = %parallel_loop3A_145 to %shift_right_logical3A_144 step %parallel_loop3A_146  : i32 {
        %parallel_loop3A_254 = arith.constant 16 : i32
        %parallel_loop3A_255 = arith.muli %parallel_loop3A_253, %parallel_loop3A_254 : i32
        %parallel_loop3A_256 = vector.broadcast %parallel_loop3A_255 : i32 to vector<16xi32>
        %parallel_loop3A_257 = arith.addi %parallel_loop3A_256, %iota3A : vector<16xi32>
        %parallel_loop3A_258 = vector.broadcast %parallel_loop3A_141 : i32 to vector<16xi32>
        %parallel_loop3A_259 = arith.cmpi slt, %parallel_loop3A_257, %parallel_loop3A_258 : vector<16xi32>
        %parallel_loop3A_260 = arith.index_cast %parallel_loop3A_255 : i32 to index
        %parallel_loop3A_261 = tpu.vector_load %arg9[%parallel_loop3A_260] {strides = array<i32>} : memref<24576xi32, #tpu.memory_space<vmem>>, vector<16xi32>,
        %parallel_loop3A_262 = tpu.vector_load_idx %arg7[%parallel_loop3A_261] masked %parallel_loop3A_259 : memref<32768xi32, #tpu.memory_space<vmem>>[vector<16xi32>], vector<16xi32>, vector<16xi1>
        %parallel_loop3A_263 = arith.constant 20 : i32
        %parallel_loop3A_264 = vector.broadcast %parallel_loop3A_263 : i32 to vector<16xi32>
        %parallel_loop3A_265 = arith.shrui %parallel_loop3A_262, %parallel_loop3A_264 : vector<16xi32>
        %parallel_loop3A_266 = vector.broadcast %add3A_125 : i32 to vector<16xi32>
        %parallel_loop3A_267 = arith.cmpi eq, %parallel_loop3A_265, %parallel_loop3A_266 : vector<16xi32>
        %parallel_loop3A_268 = arith.andi %parallel_loop3A_259, %parallel_loop3A_267 : vector<16xi1>
        %parallel_loop3A_269 = arith.constant 10 : i32
        %parallel_loop3A_270 = vector.broadcast %parallel_loop3A_269 : i32 to vector<16xi32>
        %parallel_loop3A_271 = arith.shrui %parallel_loop3A_262, %parallel_loop3A_270 : vector<16xi32>
        %parallel_loop3A_272 = arith.constant 1023 : i32
        %parallel_loop3A_273 = vector.broadcast %parallel_loop3A_272 : i32 to vector<16xi32>
        %parallel_loop3A_274 = arith.andi %parallel_loop3A_271, %parallel_loop3A_273 : vector<16xi32>
        %parallel_loop3A_275 = arith.select %parallel_loop3A_268, %parallel_loop3A_274, %broadcast_in_dim3A_136 : vector<16xi1>, vector<16xi32>
        %parallel_loop3A_276 = arith.constant true
        %parallel_loop3A_277 = vector.broadcast %parallel_loop3A_276 : i1 to vector<16xi1>
        %parallel_loop3A_278, %parallel_loop3A_279 = tpu.scan_count mask(%parallel_loop3A_277 : vector<16xi1>) value(%parallel_loop3A_275 : vector<16xi32>) : vector<16xi1>, vector<16xi32>
        tpu.vector_store_idx %arg8[%parallel_loop3A_275], %parallel_loop3A_279 masked %parallel_loop3A_278 {add = true} : memref<4112xi32, #tpu.memory_space<vmem>>[vector<16xi32>], vector<16xi32>, vector<16xi1>
      } {sc.loop_unroll_factor = 2 : i64, sc.parallel_access}
      %parallel_loop3A_147 = arith.constant 0 : i32
      %parallel_loop3A_148 = arith.constant 64 : i32
      %parallel_loop3A_149 = arith.constant 1 : i32
      %parallel_loop3A_150 = arith.constant 0 : i32
      %parallel_loop3A_151 = arith.constant 0 : i32
      %parallel_loop3A_152 = arith.constant 0 : i32
      %parallel_loop3A_153 = arith.constant 0 : i32
      %parallel_loop3A_154:4 = scf.for %parallel_loop3A_253 = %parallel_loop3A_147 to %parallel_loop3A_148 step %parallel_loop3A_149 iter_args(%parallel_loop3A_254 = %parallel_loop3A_150, %parallel_loop3A_255 = %parallel_loop3A_151, %parallel_loop3A_256 = %parallel_loop3A_152, %parallel_loop3A_257 = %parallel_loop3A_153) -> (i32, i32, i32, i32)  : i32 {
        %parallel_loop3A_258 = arith.constant 63 : i32
        %parallel_loop3A_259 = arith.subi %parallel_loop3A_258, %parallel_loop3A_253 : i32
        %parallel_loop3A_260 = arith.constant 16 : i32
        %parallel_loop3A_261 = arith.muli %parallel_loop3A_259, %parallel_loop3A_260 : i32
        %parallel_loop3A_262 = arith.index_cast %parallel_loop3A_261 : i32 to index
        %parallel_loop3A_263 = tpu.vector_load %arg8[%parallel_loop3A_262] {strides = array<i32>} : memref<4112xi32, #tpu.memory_space<vmem>>, vector<16xi32>,
        %parallel_loop3A_264 = arith.constant true
        %parallel_loop3A_265 = vector.broadcast %parallel_loop3A_264 : i1 to vector<16xi1>
        %parallel_loop3A_266 = tpu.scan <sum>, %parallel_loop3A_263 masked %parallel_loop3A_265 : vector<16xi32>, vector<16xi1> -> vector<16xi32>
        %parallel_loop3A_267 = vector.extract %parallel_loop3A_266[15] : i32 from vector<16xi32>
        %parallel_loop3A_268 = arith.addi %parallel_loop3A_254, %parallel_loop3A_267 : i32
        %parallel_loop3A_269 = arith.cmpi sge, %parallel_loop3A_268, %sub3A_129 : i32
        %parallel_loop3A_270 = arith.constant 0 : i32
        %parallel_loop3A_271 = arith.cmpi eq, %parallel_loop3A_257, %parallel_loop3A_270 : i32
        %parallel_loop3A_272 = arith.andi %parallel_loop3A_269, %parallel_loop3A_271 : i1
        %parallel_loop3A_273 = arith.select %parallel_loop3A_272, %parallel_loop3A_259, %parallel_loop3A_255 : i32
        %parallel_loop3A_274 = arith.select %parallel_loop3A_272, %parallel_loop3A_254, %parallel_loop3A_256 : i32
        %parallel_loop3A_275 = arith.constant 1 : i32
        %parallel_loop3A_276 = arith.select %parallel_loop3A_272, %parallel_loop3A_275, %parallel_loop3A_257 : i32
        %parallel_loop3A_277 = arith.addi %parallel_loop3A_254, %parallel_loop3A_267 : i32
        scf.yield %parallel_loop3A_277, %parallel_loop3A_273, %parallel_loop3A_274, %parallel_loop3A_276 : i32, i32, i32, i32
      } {sc.loop_unroll_factor = 4 : i64, sc.parallel_access}
      %mul3A_155 = arith.constant 16 : i32
      %mul3A_156 = arith.muli %parallel_loop3A_154#1, %mul3A_155 : i32
      %get3A_157 = arith.index_cast %mul3A_156 : i32 to index
      %get3A_158 = tpu.vector_load %arg8[%get3A_157] {strides = array<i32>} : memref<4112xi32, #tpu.memory_space<vmem>>, vector<16xi32>,
      %broadcast_in_dim3A_159 = arith.constant true
      %broadcast_in_dim3A_160 = vector.broadcast %broadcast_in_dim3A_159 : i1 to vector<16xi1>
      %masked_cumsum3A_161 = tpu.scan <sum>, %get3A_158 masked %broadcast_in_dim3A_160 : vector<16xi32>, vector<16xi1> -> vector<16xi32>
      %reduce_sum3A_162 = arith.constant true
      %reduce_sum3A_163 = vector.broadcast %reduce_sum3A_162 : i1 to vector<16xi1>
      %reduce_sum3A_164 = tpu.scan <sum>, %get3A_158 masked %reduce_sum3A_163 : vector<16xi32>, vector<16xi1> -> vector<16xi32>
      %reduce_sum3A_165 = vector.extract %reduce_sum3A_164[15] : i32 from vector<16xi32>
      %add3A_166 = arith.addi %parallel_loop3A_154#2, %reduce_sum3A_165 : i32
      %sub3A_167 = vector.broadcast %add3A_166 : i32 to vector<16xi32>
      %sub3A_168 = arith.subi %sub3A_167, %masked_cumsum3A_161 : vector<16xi32>
      %add3A_169 = arith.addi %sub3A_168, %get3A_158 : vector<16xi32>
      %ge3A_170 = vector.broadcast %sub3A_129 : i32 to vector<16xi32>
      %ge3A_171 = arith.cmpi sge, %add3A_169, %ge3A_170 : vector<16xi32>
      %jit3A_172 = arith.constant 1 : i32
      %jit3A_173 = arith.constant 0 : i32
      %broadcast_in_dim3A_174 = vector.broadcast %jit3A_172 : i32 to vector<16xi32>
      %broadcast_in_dim3A_175 = vector.broadcast %jit3A_173 : i32 to vector<16xi32>
      %select_n3A_176 = arith.select %ge3A_171, %broadcast_in_dim3A_174, %broadcast_in_dim3A_175 : vector<16xi1>, vector<16xi32>
      %reduce_sum3A_177 = arith.constant true
      %reduce_sum3A_178 = vector.broadcast %reduce_sum3A_177 : i1 to vector<16xi1>
      %reduce_sum3A_179 = tpu.scan <sum>, %select_n3A_176 masked %reduce_sum3A_178 : vector<16xi32>, vector<16xi1> -> vector<16xi32>
      %reduce_sum3A_180 = vector.extract %reduce_sum3A_179[15] : i32 from vector<16xi32>
      %sub3A_181 = arith.constant 1 : i32
      %sub3A_182 = arith.subi %reduce_sum3A_180, %sub3A_181 : i32
      %eq3A_183 = vector.broadcast %sub3A_182 : i32 to vector<16xi32>
      %eq3A_184 = arith.cmpi eq, %iota3A, %eq3A_183 : vector<16xi32>
      %jit3A_185 = arith.constant 0 : i32
      %broadcast_in_dim3A_186 = vector.broadcast %jit3A_185 : i32 to vector<16xi32>
      %select_n3A_187 = arith.select %eq3A_184, %masked_cumsum3A_161, %broadcast_in_dim3A_186 : vector<16xi1>, vector<16xi32>
      %reduce_sum3A_188 = arith.constant true
      %reduce_sum3A_189 = vector.broadcast %reduce_sum3A_188 : i1 to vector<16xi1>
      %reduce_sum3A_190 = tpu.scan <sum>, %select_n3A_187 masked %reduce_sum3A_189 : vector<16xi32>, vector<16xi1> -> vector<16xi32>
      %reduce_sum3A_191 = vector.extract %reduce_sum3A_190[15] : i32 from vector<16xi32>
      %eq3A_192 = vector.broadcast %sub3A_182 : i32 to vector<16xi32>
      %eq3A_193 = arith.cmpi eq, %iota3A, %eq3A_192 : vector<16xi32>
      %jit3A_194 = arith.constant 0 : i32
      %broadcast_in_dim3A_195 = vector.broadcast %jit3A_194 : i32 to vector<16xi32>
      %select_n3A_196 = arith.select %eq3A_193, %get3A_158, %broadcast_in_dim3A_195 : vector<16xi1>, vector<16xi32>
      %reduce_sum3A_197 = arith.constant true
      %reduce_sum3A_198 = vector.broadcast %reduce_sum3A_197 : i1 to vector<16xi1>
      %reduce_sum3A_199 = tpu.scan <sum>, %select_n3A_196 masked %reduce_sum3A_198 : vector<16xi32>, vector<16xi1> -> vector<16xi32>
      %reduce_sum3A_200 = vector.extract %reduce_sum3A_199[15] : i32 from vector<16xi32>
      %mul3A_201 = arith.constant 16 : i32
      %mul3A_202 = arith.muli %parallel_loop3A_154#1, %mul3A_201 : i32
      %add3A_203 = arith.addi %mul3A_202, %sub3A_182 : i32
      %add3A_204 = arith.addi %parallel_loop3A_154#2, %reduce_sum3A_165 : i32
      %sub3A_205 = arith.subi %add3A_204, %reduce_sum3A_191 : i32
      %sub3A_206 = arith.subi %sub3A_129, %sub3A_205 : i32
      %shift_left3A = arith.constant 10 : i32
      %shift_left3A_207 = arith.shli %add3A_125, %shift_left3A : i32
      %or3A = arith.ori %shift_left3A_207, %add3A_203 : i32
      %sub3A_208 = arith.subi %reduce_sum3A_200, %sub3A_206 : i32
      %parallel_loop3A_209 = arith.constant 0 : i32
      %parallel_loop3A_210 = arith.constant 1 : i32
      %parallel_loop3A_211:7 = scf.for %parallel_loop3A_253 = %parallel_loop3A_209 to %shift_right_logical3A_144 step %parallel_loop3A_210 iter_args(%parallel_loop3A_254 = %scan3A_35, %parallel_loop3A_255 = %broadcast_in_dim3A_3, %parallel_loop3A_256 = %broadcast_in_dim3A_3, %parallel_loop3A_257 = %broadcast_in_dim3A_3, %parallel_loop3A_258 = %scan3A_37, %parallel_loop3A_259 = %scan3A_38, %parallel_loop3A_260 = %scan3A_39) -> (vector<16xf32>, vector<16xf32>, vector<16xf32>, vector<16xf32>, vector<16xi32>, vector<16xi32>, vector<16xi32>)  : i32 {
        %parallel_loop3A_261 = arith.constant 16 : i32
        %parallel_loop3A_262 = arith.muli %parallel_loop3A_253, %parallel_loop3A_261 : i32
        %parallel_loop3A_263 = arith.index_cast %parallel_loop3A_262 : i32 to index
        %parallel_loop3A_264 = tpu.vector_load %arg9[%parallel_loop3A_263] {strides = array<i32>} : memref<24576xi32, #tpu.memory_space<vmem>>, vector<16xi32>,
        %parallel_loop3A_265 = vector.broadcast %parallel_loop3A_262 : i32 to vector<16xi32>
        %parallel_loop3A_266 = arith.addi %parallel_loop3A_265, %iota3A : vector<16xi32>
        %parallel_loop3A_267 = vector.broadcast %parallel_loop3A_141 : i32 to vector<16xi32>
        %parallel_loop3A_268 = arith.cmpi slt, %parallel_loop3A_266, %parallel_loop3A_267 : vector<16xi32>
        %parallel_loop3A_269 = tpu.vector_load_idx %arg7[%parallel_loop3A_264] masked %parallel_loop3A_268 : memref<32768xi32, #tpu.memory_space<vmem>>[vector<16xi32>], vector<16xi32>, vector<16xi1>
        %parallel_loop3A_270 = tpu.vector_load_idx %arg5[%parallel_loop3A_264] masked %parallel_loop3A_268 : memref<32768xf32, #tpu.memory_space<vmem>>[vector<16xi32>], vector<16xf32>, vector<16xi1>
        %parallel_loop3A_271 = tpu.vector_load_idx %arg6[%parallel_loop3A_264] masked %parallel_loop3A_268 : memref<32768xf32, #tpu.memory_space<vmem>>[vector<16xi32>], vector<16xf32>, vector<16xi1>
        %parallel_loop3A_272 = arith.constant 10 : i32
        %parallel_loop3A_273 = vector.broadcast %parallel_loop3A_272 : i32 to vector<16xi32>
        %parallel_loop3A_274 = arith.shrui %parallel_loop3A_269, %parallel_loop3A_273 : vector<16xi32>
        %parallel_loop3A_275 = vector.broadcast %or3A : i32 to vector<16xi32>
        %parallel_loop3A_276 = arith.cmpi sge, %parallel_loop3A_274, %parallel_loop3A_275 : vector<16xi32>
        %parallel_loop3A_277 = arith.andi %parallel_loop3A_268, %parallel_loop3A_276 : vector<16xi1>
        %parallel_loop3A_278 = math.absf %parallel_loop3A_270 : vector<16xf32>
        %parallel_loop3A_279 = arith.constant 0.000000e+00 : f32
        %parallel_loop3A_280 = vector.broadcast %parallel_loop3A_279 : f32 to vector<16xf32>
        %parallel_loop3A_281 = arith.subf %parallel_loop3A_280, %parallel_loop3A_278 : vector<16xf32>
        %parallel_loop3A_282 = math.exp %parallel_loop3A_281 : vector<16xf32>
        %parallel_loop3A_283 = arith.constant 0.000000e+00 : f32
        %parallel_loop3A_284 = vector.broadcast %parallel_loop3A_283 : f32 to vector<16xf32>
        %parallel_loop3A_285 = arith.cmpf oge, %parallel_loop3A_270, %parallel_loop3A_284 : vector<16xf32>
        %parallel_loop3A_286 = vector.broadcast %scan3A : f32 to vector<16xf32>
        %parallel_loop3A_287 = arith.select %parallel_loop3A_285, %parallel_loop3A_286, %parallel_loop3A_282 : vector<16xi1>, vector<16xf32>
        %parallel_loop3A_288 = vector.broadcast %scan3A : f32 to vector<16xf32>
        %parallel_loop3A_289 = arith.addf %parallel_loop3A_288, %parallel_loop3A_282 : vector<16xf32>
        %parallel_loop3A_290 = arith.divf %parallel_loop3A_287, %parallel_loop3A_289 : vector<16xf32>
        %parallel_loop3A_291 = vector.bitcast %parallel_loop3A_269 : vector<16xi32> to vector<16xf32>
        %parallel_loop3A_292 = arith.constant 0.000000e+00 : f32
        %parallel_loop3A_293 = vector.broadcast %parallel_loop3A_292 : f32 to vector<16xf32>
        %parallel_loop3A_294 = arith.select %parallel_loop3A_277, %parallel_loop3A_291, %parallel_loop3A_293 : vector<16xi1>, vector<16xf32>
        %parallel_loop3A_295 = arith.addf %parallel_loop3A_254, %parallel_loop3A_294 : vector<16xf32>
        %parallel_loop3A_296 = arith.constant 0.000000e+00 : f32
        %parallel_loop3A_297 = vector.broadcast %parallel_loop3A_296 : f32 to vector<16xf32>
        %parallel_loop3A_298 = arith.select %parallel_loop3A_277, %parallel_loop3A_290, %parallel_loop3A_297 : vector<16xi1>, vector<16xf32>
        %parallel_loop3A_299 = arith.addf %parallel_loop3A_255, %parallel_loop3A_298 : vector<16xf32>
        %parallel_loop3A_300 = arith.constant 0.000000e+00 : f32
        %parallel_loop3A_301 = vector.broadcast %parallel_loop3A_300 : f32 to vector<16xf32>
        %parallel_loop3A_302 = arith.select %parallel_loop3A_277, %parallel_loop3A_271, %parallel_loop3A_301 : vector<16xi1>, vector<16xf32>
        %parallel_loop3A_303 = arith.addf %parallel_loop3A_256, %parallel_loop3A_302 : vector<16xf32>
        %parallel_loop3A_304 = arith.mulf %parallel_loop3A_290, %parallel_loop3A_271 : vector<16xf32>
        %parallel_loop3A_305 = arith.constant 0.000000e+00 : f32
        %parallel_loop3A_306 = vector.broadcast %parallel_loop3A_305 : f32 to vector<16xf32>
        %parallel_loop3A_307 = arith.select %parallel_loop3A_277, %parallel_loop3A_304, %parallel_loop3A_306 : vector<16xi1>, vector<16xf32>
        %parallel_loop3A_308 = arith.addf %parallel_loop3A_257, %parallel_loop3A_307 : vector<16xf32>
        %parallel_loop3A_309 = arith.constant 0.000000e+00 : f32
        %parallel_loop3A_310 = vector.broadcast %parallel_loop3A_309 : f32 to vector<16xf32>
        %parallel_loop3A_311 = arith.cmpf ogt, %parallel_loop3A_270, %parallel_loop3A_310 : vector<16xf32>
        %parallel_loop3A_312 = arith.constant 0.000000e+00 : f32
        %parallel_loop3A_313 = vector.broadcast %parallel_loop3A_312 : f32 to vector<16xf32>
        %parallel_loop3A_314 = arith.cmpf ogt, %parallel_loop3A_271, %parallel_loop3A_313 : vector<16xf32>
        %parallel_loop3A_315 = arith.andi %parallel_loop3A_277, %parallel_loop3A_311 : vector<16xi1>
        %parallel_loop3A_316 = tpu.all_reduce %parallel_loop3A_315 {dim = 0 : i64, kind = #tpu.reduction_kind<sum>} : vector<16xi1> -> vector<16xi32>
        %parallel_loop3A_317 = arith.addi %parallel_loop3A_258, %parallel_loop3A_316 : vector<16xi32>
        %parallel_loop3A_318 = arith.andi %parallel_loop3A_277, %parallel_loop3A_314 : vector<16xi1>
        %parallel_loop3A_319 = tpu.all_reduce %parallel_loop3A_318 {dim = 0 : i64, kind = #tpu.reduction_kind<sum>} : vector<16xi1> -> vector<16xi32>
        %parallel_loop3A_320 = arith.addi %parallel_loop3A_259, %parallel_loop3A_319 : vector<16xi32>
        %parallel_loop3A_321 = arith.ori %parallel_loop3A_311, %parallel_loop3A_314 : vector<16xi1>
        %parallel_loop3A_322 = arith.andi %parallel_loop3A_277, %parallel_loop3A_321 : vector<16xi1>
        %parallel_loop3A_323 = tpu.all_reduce %parallel_loop3A_322 {dim = 0 : i64, kind = #tpu.reduction_kind<sum>} : vector<16xi1> -> vector<16xi32>
        %parallel_loop3A_324 = arith.addi %parallel_loop3A_260, %parallel_loop3A_323 : vector<16xi32>
        scf.yield %parallel_loop3A_295, %parallel_loop3A_299, %parallel_loop3A_303, %parallel_loop3A_308, %parallel_loop3A_317, %parallel_loop3A_320, %parallel_loop3A_324 : vector<16xf32>, vector<16xf32>, vector<16xf32>, vector<16xf32>, vector<16xi32>, vector<16xi32>, vector<16xi32>
      } {sc.loop_unroll_factor = 2 : i64, sc.parallel_access}
      %broadcast_in_dim3A_212 = arith.constant 1 : i32
      %broadcast_in_dim3A_213 = vector.broadcast %broadcast_in_dim3A_212 : i32 to vector<16xi32>
      %shift_left3A_214 = arith.constant 10 : i32
      %shift_left3A_215 = arith.shli %or3A, %shift_left3A_214 : i32
      %or3A_216 = arith.constant 512 : i32
      %or3A_217 = arith.ori %shift_left3A_215, %or3A_216 : i32
      %mul3A_218 = vector.broadcast %or3A_217 : i32 to vector<16xi32>
      %mul3A_219 = arith.muli %broadcast_in_dim3A_213, %mul3A_218 : vector<16xi32>
      %bitcast3A = vector.bitcast %mul3A_219 : vector<16xi32> to vector<16xf32>
      %broadcast_in_dim3A_220 = arith.constant 1 : i32
      %broadcast_in_dim3A_221 = vector.broadcast %broadcast_in_dim3A_220 : i32 to vector<16xi32>
      %mul3A_222 = vector.broadcast %sub3A_208 : i32 to vector<16xi32>
      %mul3A_223 = arith.muli %broadcast_in_dim3A_221, %mul3A_222 : vector<16xi32>
      %convert_element_type3A_224 = arith.sitofp %mul3A_223 : vector<16xi32> to vector<16xf32>
      %mul3A_225 = arith.mulf %convert_element_type3A_224, %bitcast3A : vector<16xf32>
      %jit3A_226 = arith.constant 0.000000e+00 : f32
      %broadcast_in_dim3A_227 = vector.broadcast %jit3A_226 : f32 to vector<16xf32>
      %select_n3A_228 = arith.select %eq3A_2, %mul3A_225, %broadcast_in_dim3A_227 : vector<16xi1>, vector<16xf32>
      %sub3A_229 = arith.subf %parallel_loop3A_211#0, %select_n3A_228 : vector<16xf32>
      %broadcast_in_dim3A_230 = arith.constant true
      %broadcast_in_dim3A_231 = vector.broadcast %broadcast_in_dim3A_230 : i1 to vector<16xi1>
      %masked_cumsum3A_232 = tpu.scan <sum>, %parallel_loop3A_211#1 masked %broadcast_in_dim3A_231 : vector<16xf32>, vector<16xi1> -> vector<16xf32>
      %broadcast_in_dim3A_233 = arith.constant true
      %broadcast_in_dim3A_234 = vector.broadcast %broadcast_in_dim3A_233 : i1 to vector<16xi1>
      %masked_cumsum3A_235 = tpu.scan <sum>, %parallel_loop3A_211#2 masked %broadcast_in_dim3A_234 : vector<16xf32>, vector<16xi1> -> vector<16xf32>
      %broadcast_in_dim3A_236 = arith.constant true
      %broadcast_in_dim3A_237 = vector.broadcast %broadcast_in_dim3A_236 : i1 to vector<16xi1>
      %masked_cumsum3A_238 = tpu.scan <sum>, %parallel_loop3A_211#3 masked %broadcast_in_dim3A_237 : vector<16xf32>, vector<16xi1> -> vector<16xf32>
      %mul3A_239 = arith.constant 2.000000e+00 : f32
      %mul3A_240 = vector.broadcast %mul3A_239 : f32 to vector<16xf32>
      %mul3A_241 = arith.mulf %mul3A_240, %masked_cumsum3A_238 : vector<16xf32>
      %add3A_242 = vector.broadcast %scan3A : f32 to vector<16xf32>
      %add3A_243 = arith.addf %mul3A_241, %add3A_242 : vector<16xf32>
      %add3A_244 = arith.addf %masked_cumsum3A_232, %masked_cumsum3A_235 : vector<16xf32>
      %add3A_245 = vector.broadcast %scan3A : f32 to vector<16xf32>
      %add3A_246 = arith.addf %add3A_244, %add3A_245 : vector<16xf32>
      %div3A = arith.divf %add3A_243, %add3A_246 : vector<16xf32>
      %sub3A_247 = vector.broadcast %scan3A : f32 to vector<16xf32>
      %sub3A_248 = arith.subf %sub3A_247, %div3A : vector<16xf32>
      %jit3A_249 = arith.constant 0.000000e+00 : f32
      %broadcast_in_dim3A_250 = vector.broadcast %jit3A_249 : f32 to vector<16xf32>
      %select_n3A_251 = arith.select %eq3A_2, %sub3A_248, %broadcast_in_dim3A_250 : vector<16xi1>, vector<16xf32>
      %add3A_252 = arith.addf %scan3A_36, %select_n3A_251 : vector<16xf32>
      scf.yield %sub3A_229, %add3A_252, %parallel_loop3A_211#4, %parallel_loop3A_211#5, %parallel_loop3A_211#6 : vector<16xf32>, vector<16xf32>, vector<16xi32>, vector<16xi32>, vector<16xi32>
    }
    %scan3A_11 = arith.constant 4 : i32
    %swap3A = arith.constant 0 : index
    %swap3A_12 = tpu.vector_load %arg10[%swap3A] {strides = array<i32>} : memref<96xf32, #tpu.memory_space<vmem>>, vector<16xf32>,
    tpu.vector_store %arg10[%swap3A], %scan3A_10#0 {strides = array<i32>} : memref<96xf32, #tpu.memory_space<vmem>>, vector<16xf32>,
    %swap3A_13 = arith.constant 16 : index
    %swap3A_14 = tpu.vector_load %arg10[%swap3A_13] {strides = array<i32>} : memref<96xf32, #tpu.memory_space<vmem>>, vector<16xf32>,
    tpu.vector_store %arg10[%swap3A_13], %scan3A_10#1 {strides = array<i32>} : memref<96xf32, #tpu.memory_space<vmem>>, vector<16xf32>,
    %convert_element_type3A = arith.sitofp %scan3A_10#2 : vector<16xi32> to vector<16xf32>
    %jit3A = arith.constant 0.000000e+00 : f32
    %broadcast_in_dim3A_15 = vector.broadcast %jit3A : f32 to vector<16xf32>
    %select_n3A = arith.select %eq3A_2, %convert_element_type3A, %broadcast_in_dim3A_15 : vector<16xi1>, vector<16xf32>
    %swap3A_16 = arith.constant 32 : index
    %swap3A_17 = tpu.vector_load %arg10[%swap3A_16] {strides = array<i32>} : memref<96xf32, #tpu.memory_space<vmem>>, vector<16xf32>,
    tpu.vector_store %arg10[%swap3A_16], %select_n3A {strides = array<i32>} : memref<96xf32, #tpu.memory_space<vmem>>, vector<16xf32>,
    %convert_element_type3A_18 = arith.sitofp %scan3A_10#3 : vector<16xi32> to vector<16xf32>
    %jit3A_19 = arith.constant 0.000000e+00 : f32
    %broadcast_in_dim3A_20 = vector.broadcast %jit3A_19 : f32 to vector<16xf32>
    %select_n3A_21 = arith.select %eq3A_2, %convert_element_type3A_18, %broadcast_in_dim3A_20 : vector<16xi1>, vector<16xf32>
    %swap3A_22 = arith.constant 48 : index
    %swap3A_23 = tpu.vector_load %arg10[%swap3A_22] {strides = array<i32>} : memref<96xf32, #tpu.memory_space<vmem>>, vector<16xf32>,
    tpu.vector_store %arg10[%swap3A_22], %select_n3A_21 {strides = array<i32>} : memref<96xf32, #tpu.memory_space<vmem>>, vector<16xf32>,
    %convert_element_type3A_24 = arith.sitofp %scan3A_10#4 : vector<16xi32> to vector<16xf32>
    %jit3A_25 = arith.constant 0.000000e+00 : f32
    %broadcast_in_dim3A_26 = vector.broadcast %jit3A_25 : f32 to vector<16xf32>
    %select_n3A_27 = arith.select %eq3A_2, %convert_element_type3A_24, %broadcast_in_dim3A_26 : vector<16xi1>, vector<16xf32>
    %swap3A_28 = arith.constant 64 : index
    %swap3A_29 = tpu.vector_load %arg10[%swap3A_28] {strides = array<i32>} : memref<96xf32, #tpu.memory_space<vmem>>, vector<16xf32>,
    tpu.vector_store %arg10[%swap3A_28], %select_n3A_27 {strides = array<i32>} : memref<96xf32, #tpu.memory_space<vmem>>, vector<16xf32>,
    %broadcast_in_dim3A_30 = arith.constant 0.000000e+00 : f32
    %broadcast_in_dim3A_31 = vector.broadcast %broadcast_in_dim3A_30 : f32 to vector<16xf32>
    %swap3A_32 = arith.constant 80 : index
    %swap3A_33 = tpu.vector_load %arg10[%swap3A_32] {strides = array<i32>} : memref<96xf32, #tpu.memory_space<vmem>>, vector<16xf32>,
    tpu.vector_store %arg10[%swap3A_32], %broadcast_in_dim3A_31 {strides = array<i32>} : memref<96xf32, #tpu.memory_space<vmem>>, vector<16xf32>,
    "tpu.region"() ({
      %run_scoped3A = tpu.sem_alloc : memref<!tpu.dma_semaphore, #tpu.memory_space<semaphore_mem>>
      %dma_start3A = arith.constant 0 : i32
      %dma_start3A_34 = tpu.memref_slice %arg4[%add3A, %dma_start3A] : memref<32x96xf32, #tpu.memory_space<hbm>> -> memref<1x96xf32, #tpu.memory_space<hbm>>
      %dma_start3A_35 = tpu.memref_squeeze %dma_start3A_34 : memref<1x96xf32, #tpu.memory_space<hbm>> -> memref<96xf32, #tpu.memory_space<hbm>>
      %dma_start3A_36 = arith.constant 0 : i32
      %dma_start3A_37 = tpu.memref_slice %arg4[%add3A, %dma_start3A_36] : memref<32x96xf32, #tpu.memory_space<hbm>> -> memref<1x96xf32, #tpu.memory_space<hbm>>
      %dma_start3A_38 = tpu.memref_squeeze %dma_start3A_37 : memref<1x96xf32, #tpu.memory_space<hbm>> -> memref<96xf32, #tpu.memory_space<hbm>>
      tpu.enqueue_dma source(%arg10 : memref<96xf32, #tpu.memory_space<vmem>>) target(%dma_start3A_38 : memref<96xf32, #tpu.memory_space<hbm>>) target_semaphore(%run_scoped3A : memref<!tpu.dma_semaphore, #tpu.memory_space<semaphore_mem>>)
      %dma_wait3A = arith.constant 0 : i32
      %dma_wait3A_39 = tpu.memref_slice %arg4[%add3A, %dma_wait3A] : memref<32x96xf32, #tpu.memory_space<hbm>> -> memref<1x96xf32, #tpu.memory_space<hbm>>
      %dma_wait3A_40 = tpu.memref_squeeze %dma_wait3A_39 : memref<1x96xf32, #tpu.memory_space<hbm>> -> memref<96xf32, #tpu.memory_space<hbm>>
      %dma_wait3A_41 = arith.constant 0 : i32
      %dma_wait3A_42 = tpu.memref_slice %arg4[%add3A, %dma_wait3A_41] : memref<32x96xf32, #tpu.memory_space<hbm>> -> memref<1x96xf32, #tpu.memory_space<hbm>>
      %dma_wait3A_43 = tpu.memref_squeeze %dma_wait3A_42 : memref<1x96xf32, #tpu.memory_space<hbm>> -> memref<96xf32, #tpu.memory_space<hbm>>
      tpu.wait_dma2 semaphore(%run_scoped3A : memref<!tpu.dma_semaphore, #tpu.memory_space<semaphore_mem>>) src(%arg10 : memref<96xf32, #tpu.memory_space<vmem>>) dst(%dma_wait3A_43 : memref<96xf32, #tpu.memory_space<hbm>>)
      tpu.yield
    }) : () -> ()
    return
  }
}

module attributes {stable_mosaic.version = 14 : i64} {
  func.func @_combine_body(%arg0: memref<32x96xf32, #tpu.memory_space<vmem>>, %arg1: memref<1x128xf32, #tpu.memory_space<vmem>>) attributes {dimension_semantics = [], scalar_prefetch = 0 : i64, scratch_operands = 0 : i64, tpu.core_type = #tpu.core_type<tc>} {
    %get3A = arith.constant 0 : index
    %get3A_0 = arith.constant 0 : index
    %get3A_1 = vector.load %arg0[%get3A, %get3A_0] : memref<32x96xf32, #tpu.memory_space<vmem>>, vector<32x96xf32>
    %iota3A = tpu.iota {dimensions = array<i32: 1>} : vector<1x128xi32>
    %eq3A = arith.constant 0 : i32
    %eq3A_2 = vector.broadcast %eq3A : i32 to vector<1x128xi32>
    %eq3A_3 = arith.cmpi eq, %iota3A, %eq3A_2 : vector<1x128xi32>
    %slice3A = vector.extract_strided_slice %get3A_1 {offsets = [0, 0], sizes = [32, 16], strides = [1, 1]} : vector<32x96xf32> to vector<32x16xf32>
    %reduce_sum3A = vector.shape_cast %slice3A : vector<32x16xf32> to vector<1x32x16xf32>
    %reduce_sum3A_4 = arith.constant dense<0.000000e+00> : vector<1xf32>
    %reduce_sum3A_5 = vector.multi_reduction <add>, %reduce_sum3A, %reduce_sum3A_4 [1, 2] : vector<1x32x16xf32> to vector<1xf32>
    %reduce_sum3A_6 = vector.shape_cast %reduce_sum3A_5 : vector<1xf32> to vector<1x1x1xf32>
    %reduce_sum3A_7 = vector.extract %reduce_sum3A_6[0, 0, 0] : f32 from vector<1x1x1xf32>
    %mul3A = arith.constant 1.90734863E-6 : f32
    %mul3A_8 = arith.mulf %reduce_sum3A_7, %mul3A : f32
    %jit3A = arith.constant 0.000000e+00 : f32
    %broadcast_in_dim3A = vector.broadcast %mul3A_8 : f32 to vector<1x128xf32>
    %broadcast_in_dim3A_9 = vector.broadcast %jit3A : f32 to vector<1x128xf32>
    %select_n3A = arith.select %eq3A_3, %broadcast_in_dim3A, %broadcast_in_dim3A_9 : vector<1x128xi1>, vector<1x128xf32>
    %eq3A_10 = arith.constant 1 : i32
    %eq3A_11 = vector.broadcast %eq3A_10 : i32 to vector<1x128xi32>
    %eq3A_12 = arith.cmpi eq, %iota3A, %eq3A_11 : vector<1x128xi32>
    %slice3A_13 = vector.extract_strided_slice %get3A_1 {offsets = [0, 16], sizes = [32, 16], strides = [1, 1]} : vector<32x96xf32> to vector<32x16xf32>
    %reduce_sum3A_14 = vector.shape_cast %slice3A_13 : vector<32x16xf32> to vector<1x32x16xf32>
    %reduce_sum3A_15 = arith.constant dense<0.000000e+00> : vector<1xf32>
    %reduce_sum3A_16 = vector.multi_reduction <add>, %reduce_sum3A_14, %reduce_sum3A_15 [1, 2] : vector<1x32x16xf32> to vector<1xf32>
    %reduce_sum3A_17 = vector.shape_cast %reduce_sum3A_16 : vector<1xf32> to vector<1x1x1xf32>
    %reduce_sum3A_18 = vector.extract %reduce_sum3A_17[0, 0, 0] : f32 from vector<1x1x1xf32>
    %mul3A_19 = arith.constant 7.812500e-03 : f32
    %mul3A_20 = arith.mulf %reduce_sum3A_18, %mul3A_19 : f32
    %jit3A_21 = arith.constant 0.000000e+00 : f32
    %broadcast_in_dim3A_22 = vector.broadcast %mul3A_20 : f32 to vector<1x128xf32>
    %broadcast_in_dim3A_23 = vector.broadcast %jit3A_21 : f32 to vector<1x128xf32>
    %select_n3A_24 = arith.select %eq3A_12, %broadcast_in_dim3A_22, %broadcast_in_dim3A_23 : vector<1x128xi1>, vector<1x128xf32>
    %add3A = arith.addf %select_n3A, %select_n3A_24 : vector<1x128xf32>
    %eq3A_25 = arith.constant 2 : i32
    %eq3A_26 = vector.broadcast %eq3A_25 : i32 to vector<1x128xi32>
    %eq3A_27 = arith.cmpi eq, %iota3A, %eq3A_26 : vector<1x128xi32>
    %slice3A_28 = vector.extract_strided_slice %get3A_1 {offsets = [0, 32], sizes = [32, 16], strides = [1, 1]} : vector<32x96xf32> to vector<32x16xf32>
    %reduce_sum3A_29 = vector.shape_cast %slice3A_28 : vector<32x16xf32> to vector<1x32x16xf32>
    %reduce_sum3A_30 = arith.constant dense<0.000000e+00> : vector<1xf32>
    %reduce_sum3A_31 = vector.multi_reduction <add>, %reduce_sum3A_29, %reduce_sum3A_30 [1, 2] : vector<1x32x16xf32> to vector<1xf32>
    %reduce_sum3A_32 = vector.shape_cast %reduce_sum3A_31 : vector<1xf32> to vector<1x1x1xf32>
    %reduce_sum3A_33 = vector.extract %reduce_sum3A_32[0, 0, 0] : f32 from vector<1x1x1xf32>
    %mul3A_34 = arith.constant 1.90734863E-6 : f32
    %mul3A_35 = arith.mulf %reduce_sum3A_33, %mul3A_34 : f32
    %jit3A_36 = arith.constant 0.000000e+00 : f32
    %broadcast_in_dim3A_37 = vector.broadcast %mul3A_35 : f32 to vector<1x128xf32>
    %broadcast_in_dim3A_38 = vector.broadcast %jit3A_36 : f32 to vector<1x128xf32>
    %select_n3A_39 = arith.select %eq3A_27, %broadcast_in_dim3A_37, %broadcast_in_dim3A_38 : vector<1x128xi1>, vector<1x128xf32>
    %add3A_40 = arith.addf %add3A, %select_n3A_39 : vector<1x128xf32>
    %eq3A_41 = arith.constant 3 : i32
    %eq3A_42 = vector.broadcast %eq3A_41 : i32 to vector<1x128xi32>
    %eq3A_43 = arith.cmpi eq, %iota3A, %eq3A_42 : vector<1x128xi32>
    %slice3A_44 = vector.extract_strided_slice %get3A_1 {offsets = [0, 48], sizes = [32, 16], strides = [1, 1]} : vector<32x96xf32> to vector<32x16xf32>
    %reduce_sum3A_45 = vector.shape_cast %slice3A_44 : vector<32x16xf32> to vector<1x32x16xf32>
    %reduce_sum3A_46 = arith.constant dense<0.000000e+00> : vector<1xf32>
    %reduce_sum3A_47 = vector.multi_reduction <add>, %reduce_sum3A_45, %reduce_sum3A_46 [1, 2] : vector<1x32x16xf32> to vector<1xf32>
    %reduce_sum3A_48 = vector.shape_cast %reduce_sum3A_47 : vector<1xf32> to vector<1x1x1xf32>
    %reduce_sum3A_49 = vector.extract %reduce_sum3A_48[0, 0, 0] : f32 from vector<1x1x1xf32>
    %mul3A_50 = arith.constant 1.90734863E-6 : f32
    %mul3A_51 = arith.mulf %reduce_sum3A_49, %mul3A_50 : f32
    %jit3A_52 = arith.constant 0.000000e+00 : f32
    %broadcast_in_dim3A_53 = vector.broadcast %mul3A_51 : f32 to vector<1x128xf32>
    %broadcast_in_dim3A_54 = vector.broadcast %jit3A_52 : f32 to vector<1x128xf32>
    %select_n3A_55 = arith.select %eq3A_43, %broadcast_in_dim3A_53, %broadcast_in_dim3A_54 : vector<1x128xi1>, vector<1x128xf32>
    %add3A_56 = arith.addf %add3A_40, %select_n3A_55 : vector<1x128xf32>
    %eq3A_57 = arith.constant 4 : i32
    %eq3A_58 = vector.broadcast %eq3A_57 : i32 to vector<1x128xi32>
    %eq3A_59 = arith.cmpi eq, %iota3A, %eq3A_58 : vector<1x128xi32>
    %slice3A_60 = vector.extract_strided_slice %get3A_1 {offsets = [0, 64], sizes = [32, 16], strides = [1, 1]} : vector<32x96xf32> to vector<32x16xf32>
    %reduce_sum3A_61 = vector.shape_cast %slice3A_60 : vector<32x16xf32> to vector<1x32x16xf32>
    %reduce_sum3A_62 = arith.constant dense<0.000000e+00> : vector<1xf32>
    %reduce_sum3A_63 = vector.multi_reduction <add>, %reduce_sum3A_61, %reduce_sum3A_62 [1, 2] : vector<1x32x16xf32> to vector<1xf32>
    %reduce_sum3A_64 = vector.shape_cast %reduce_sum3A_63 : vector<1xf32> to vector<1x1x1xf32>
    %reduce_sum3A_65 = vector.extract %reduce_sum3A_64[0, 0, 0] : f32 from vector<1x1x1xf32>
    %mul3A_66 = arith.constant 1.90734863E-6 : f32
    %mul3A_67 = arith.mulf %reduce_sum3A_65, %mul3A_66 : f32
    %jit3A_68 = arith.constant 0.000000e+00 : f32
    %broadcast_in_dim3A_69 = vector.broadcast %mul3A_67 : f32 to vector<1x128xf32>
    %broadcast_in_dim3A_70 = vector.broadcast %jit3A_68 : f32 to vector<1x128xf32>
    %select_n3A_71 = arith.select %eq3A_59, %broadcast_in_dim3A_69, %broadcast_in_dim3A_70 : vector<1x128xi1>, vector<1x128xf32>
    %add3A_72 = arith.addf %add3A_56, %select_n3A_71 : vector<1x128xf32>
    %swap3A = arith.constant 0 : index
    %swap3A_73 = arith.constant 0 : index
    %swap3A_74 = vector.load %arg1[%swap3A, %swap3A_73] : memref<1x128xf32, #tpu.memory_space<vmem>>, vector<1x128xf32>
    tpu.vector_store %arg1[%swap3A, %swap3A_73], %add3A_72 {strides = array<i32>} : memref<1x128xf32, #tpu.memory_space<vmem>>, vector<1x128xf32>,
    return
  }
}

</mosaic_0001>

<sc_bundles>
// kernel: _run.4.cloned.1.call-start
scs
__scs_entry_jumppad:
0x0: {  	(pc) =	sbr.rel $0x88, $3  }
0x1: {  	(tag) =	ssettag $0x0;
	lr =	simm.s32 $0x1  }
0x2: {  	[smem:$0x3F9F] =	sst lr;
	_ =	strace $0xD0000000  }
0x3: {  	_ = 	snop  }
0x4: {  	_ = 	snop  }
0x5: {  	_ = 	snop  }
0x6: {  	_ = 	snop  }
0x7: {  	_ = 	snop  }
__scs_overlays_trampoline_lowered:
0x8: {  	[smem:$0x3FAE] =	sst s0  }
0x9: {  	[smem:$0x3FAF] =	sst s1  }
0xa: {  	[smem:$0x3FB0] =	sst s2  }
0xb: {  	[smem:$0x3FB1] =	sst s3  }
0xc: {  	[smem:$0x3FB2] =	sst s4  }
0xd: {  	[smem:$0x3FB3] =	sst s5  }
0xe: {  	[smem:$0x3FB4] =	sst s6  }
0xf: {  	[smem:$0x3FB5] =	sst s7  }
0x10: {  	[smem:$0x3FB6] =	sst s8  }
0x11: {  	[smem:$0x3FB7] =	sst s9;
	s0 =	simm.s32 @!p0 $0x0  }
0x12: {  	s1 =	sld [smem:$0x3F9D];
	s0 =	simm.s32 @p0 $0x1  }
0x13: {  	[smem:$0x3FB8] =	sst s0;
	s0 =	simm.s32 @!p1 $0x0  }
0x14: {  	s2 =	sld [smem:$0x3F9C];
	s0 =	simm.s32 @p1 $0x1  }
0x15: {  	[smem:$0x3FB9] =	sst s0;
	s0 =	simm.s32 @!p2 $0x0  }
0x16: {  	s3 =	sld [smem:$0x3FDB];
	s0 =	simm.s32 @p2 $0x1  }
0x17: {  	s4 =	simm.s32 $0x1BF5;
	[smem:$0x3FBB] =	sst s0  }
0x18: {  	s0 =	sld [smem:$0x3F9E];
	_ =	swait.ge [sflag:s4], $0x0  }
0x19: {  	s7 =	sld [smem:$0x3F9F]  }
0x1a: {  	s8 =	sadd.s32 $0xFFFFE003, lr  }
0x1b: {  	s9 =	sadd.s32 $0xFFFFFEF7, lr;
	s5 =	simm.s32 $0xFFFFFFFF;
	p2 =	slt.u32 s8, $0xFFFFF086  }
0x1c: {  	p1 =	slt.u32 s9, $0xF7A;
	s5 =	simm.s32 @!p2 $0x0  }
0x1d: {  	s5 =	simm.s32 @p1 $0x1;
	p0 =	seq.s32 s7, s2  }
0x1e: {  	s7 =	smul.u32 @!p0 $0xF7A, s2;
	p2 =	seq.s32 @!p0 s5, $0x0  }
0x1f: {  	s9 =	smul.u32 $0xF7A, s1;
	s8 =	simm.s32 @!p0 $0x1BF5;
	p2 =	por !p2, p0  }
0x20: {  	[sflag:s8] =	ssyncset.s32 @!p0 $0xFFFFF086;
	s6 =	sadd.s32 @!p0 s3, s7;
	s7 =	simm.s32 @!p0 $0x108  }
0x21: {  	s3 =	sadd.s32 s3, s9;
	s6 =	sadd.s32 @!p0 $0x88, s6;
	s7 =	simm.s32 @p2 $0x1082  }
0x22: {  	[simem:s7], [sflag:s8] =	dma.local @!p0 [hbm:s6], $0xF7A  }
0x23: {  	s9 =	sor.u32 $0xD0000000, s2;
	s6 =	simm.s32 $0x108;
	_ =	swait.ge @!p0 [sflag:s8], $0x0  }
0x24: {  	s3 =	sadd.s32 $0x88, s3;
	s6 =	simm.s32 @!p1 $0x1082;
	[sflag:s4] =	ssyncset.s32 $0xFFFFF086  }
0x25: {  	[simem:s6], [sflag:s4] =	dma.local [hbm:s3], $0xF7A  }
0x26: {  	[smem:$0x3F9F] =	sst s1;
	(tag) =	ssettag s2;
	_ =	strace s9  }
0x27: {  	s1 =	sld [smem:$0x3FAF]  }
0x28: {  	s2 =	sld [smem:$0x3FB0]  }
0x29: {  	s4 =	sld [smem:$0x3FB2]  }
0x2a: {  	p0 =	seq.s32 s5, $0x0;
	s5 =	sld [smem:$0x3FB3]  }
0x2b: {  	s6 =	sld [smem:$0x3FB4]  }
0x2c: {  	s7 =	sld [smem:$0x3FB5]  }
0x2d: {  	s3 =	simm.s32 $0x108;
	s8 =	sld [smem:$0x3FB6]  }
0x2e: {  	s3 =	simm.s32 @!p0 $0x1082;
	s9 =	sld [smem:$0x3FB7]  }
0x2f: {  	lr =	sadd.s32 s0, s3;
	s0 =	sld [smem:$0x3FAE]  }
0x30: {  	s3 =	sld [smem:$0x3FB1]  }
0x31: {  	[smem:$0x3FBA] =	sst s10  }
0x32: {  	s10 =	sld [smem:$0x3FB8];
	_ =	sdelay $0x3  }
0x33: {  	p0 =	seq.s32 s10, $0x1;
	s10 =	sld [smem:$0x3FBA];
	_ =	sdelay $0x3  }
0x34: {  	[smem:$0x3FBA] =	sst s10  }
0x35: {  	s10 =	sld [smem:$0x3FB9];
	_ =	sdelay $0x3  }
0x36: {  	p1 =	seq.s32 s10, $0x1;
	s10 =	sld [smem:$0x3FBA];
	_ =	sdelay $0x3  }
0x37: {  	[smem:$0x3FBA] =	sst s10  }
0x38: {  	s10 =	sld [smem:$0x3FBB]  }
0x39: {  	_ = 	snop;
	(pc) =	sbr.ind lr, $3  }
0x3a: {  	_ = 	snop  }
0x3b: {  	_ = 	snop  }
0x3c: {  	p2 =	seq.s32 s10, $0x1;
	s10 =	sld [smem:$0x3FBA]  }
0x3d: {  	_ =	shalt  }
0x3e: {  	_ =	shalt  }
0x3f: {  	_ =	shalt  }
0x40: {  	_ =	shalt  }
0x41: {  	_ =	shalt  }
0x42: {  	_ =	shalt  }
0x43: {  	_ =	shalt  }
0x44: {  	_ =	shalt  }
0x45: {  	_ =	shalt  }
0x46: {  	_ =	shalt  }
0x47: {  	_ =	shalt  }
0x48: {  	_ =	shalt  }
0x49: {  	_ =	shalt  }
0x4a: {  	_ =	shalt  }
0x4b: {  	_ =	shalt  }
0x4c: {  	_ =	shalt  }
0x4d: {  	_ =	shalt  }
0x4e: {  	_ =	shalt  }
0x4f: {  	_ =	shalt  }
0x50: {  	_ =	shalt  }
0x51: {  	_ =	shalt  }
0x52: {  	_ =	shalt  }
0x53: {  	_ =	shalt  }
0x54: {  	_ =	shalt  }
0x55: {  	_ =	shalt  }
0x56: {  	_ =	shalt  }
0x57: {  	_ =	shalt  }
0x58: {  	_ =	shalt  }
0x59: {  	_ =	shalt  }
0x5a: {  	_ =	shalt  }
0x5b: {  	_ =	shalt  }
0x5c: {  	_ =	shalt  }
0x5d: {  	_ =	shalt  }
0x5e: {  	_ =	shalt  }
0x5f: {  	_ =	shalt  }
0x60: {  	_ =	shalt  }
0x61: {  	_ =	shalt  }
0x62: {  	_ =	shalt  }
0x63: {  	_ =	shalt  }
0x64: {  	_ =	shalt  }
0x65: {  	_ =	shalt  }
0x66: {  	_ =	shalt  }
0x67: {  	_ =	shalt  }
0x68: {  	_ =	shalt  }
0x69: {  	_ =	shalt  }
0x6a: {  	_ =	shalt  }
0x6b: {  	_ =	shalt  }
0x6c: {  	_ =	shalt  }
0x6d: {  	_ =	shalt  }
0x6e: {  	_ =	shalt  }
0x6f: {  	_ =	shalt  }
0x70: {  	_ =	shalt  }
0x71: {  	_ =	shalt  }
0x72: {  	_ =	shalt  }
0x73: {  	_ =	shalt  }
0x74: {  	_ =	shalt  }
0x75: {  	_ =	shalt  }
0x76: {  	_ =	shalt  }
0x77: {  	_ =	shalt  }
0x78: {  	_ =	shalt  }
0x79: {  	_ =	shalt  }
0x7a: {  	_ =	shalt  }
0x7b: {  	_ =	shalt  }
0x7c: {  	_ =	shalt  }
0x7d: {  	_ =	shalt  }
0x7e: {  	_ =	shalt  }
0x7f: {  	_ =	shalt  }
0x80: {  	_ =	shalt  }
0x81: {  	_ =	shalt  }
0x82: {  	_ =	shalt  }
0x83: {  	_ =	shalt  }
0x84: {  	_ =	shalt  }
0x85: {  	_ =	shalt  }
0x86: {  	_ =	shalt  }
0x87: {  	_ =	shalt  }
.Lfunc_end0:
.L_simem_size_0:
called_computation_lowered:
.L_overlay_start_0:
0x88: {  	s2 =	sld [smem:$0x3FD9]  }
0x89: {  	s3 =	sld [smem:$0x3FFE];
	_ =	sdelay $0x1  }
0x8a: {  	s1 =	srdreg.scid  }
0x8b: {  	s0 =	sand.u32 $0x1, s1  }
0x8c: {  	s17 =	sshll.u32 s0, $0xA;
	s2 =	sadd.s32 s3, s2  }
0x8d: {  	s2 =	sadd.s32 s2, s17  }
0x8e: {  	[smem:$0x3FC6] =	sst s2  }
0x8f: {  	_ = 	snop  }
0x90: {  	s2 =	sld [smem:$0x3FC9]  }
0x91: {  	s18 =	sld [smem:$0x3FC8];
	(tm) =	ssettm $0x1  }
0x92: {  	s4 =	sld [smem:$0x3FFB];
	_ =	sdelay $0x3  }
0x93: {  	_ =	strace s4  }
0x94: {  	s4 =	sld [smem:$0x3FFC];
	_ =	sdelay $0x3  }
0x95: {  	_ =	strace s4  }
0x96: {  	s4 =	sld [smem:$0x3FFD];
	_ =	sdelay $0x3  }
0x97: {  	_ =	strace s4  }
0x98: {  	_ =	strace $0x8FFFFFFF  }
0x99: {  	s19 =	sld [smem:$0x3FDB];
	_ =	sdelay $0x1  }
0x9a: {  	s5 =	simm.s32 $_scs_section_size  }
0x9b: {  	s6 =	simm.s32 $_size__tile_overlayer_lowered;
	s7 =	simm.s32 $_tile_overlayer_lowered  }
0x9c: {  	s22 =	simm.s32 $0x1BFF;
	s21 =	sshll.u32 s7, $0x1;
	s4 =	sadd.s32 s5, s19  }
0x9d: {  	s8 =	simm.s32 $0x0;
	s20 =	sshll.u32 s6, $0x1;
	s6 =	sadd.s32 s21, s4  }
0x9e: {  	[timem:s8], [sflag:s22] =	dma.local [hbm:s6], s20  }
0x9f: {  	_ =	swait.ge [sflag:s22], s20  }
0xa0: {  	s5 =	ssub.s32 $0x0, s20;
	[sflag:s22] =	ssyncset.done $0x0  }
0xa1: {  	[sflag:s22] =	ssyncadd.s32 s5;
	_ =	sdelay $0x1  }
0xa2: {  	s23 =	simm.s32 $0x1B8B  }
0xa3: {  	_ =	swait.ge [sflag:s23], $0x1  }
0xa4: {  	[sflag:s23] =	ssyncset.done $0x0  }
0xa5: {  	s25 =	simm.s32 $0x1B8E;
	s24 =	sld [smem:$0x3FFE];
	[sflag:s23] =	ssyncadd.s32 $0xFFFFFFFF  }
0xa6: {  	s26 =	simm.s32 $execute0_lowered;
	[smem:$0x3FD2] =	sst s25  }
0xa7: {  	s6 =	sshll.u32 s26, $0x1;
	_ =	strace $0x80000046;
	[dreg:$0x1] =	wrdreg $0xFFFFFFFF  }
0xa8: {  	s28 =	simm.s32 $_size_execute0_lowered;
	s4 =	sadd.s32 s4, s6;
	[dreg:$0x0] =	wrdreg $0x0  }
0xa9: {  	s6 =	sshll.u32 s28, $0x1;
	[dreg:$0x2] =	wrdreg s4  }
0xaa: {  	[dreg:$0x3] =	wrdreg s6  }
0xab: {  	[dreg:$0x4] =	wrdreg $0xC0  }
0xac: {  	_ =	task [dreg:s8], $0x5FFFF  }
0xad: {  	[dreg:$0x1] =	wrdreg $0xFFFFFFFF  }
0xae: {  	[dreg:$0x0] =	wrdreg $0x60  }
0xaf: {  	[dreg:$0x2] =	wrdreg s2  }
0xb0: {  	[dreg:$0x3] =	wrdreg s18  }
0xb1: {  	[dreg:$0x4] =	wrdreg s24  }
0xb2: {  	[dreg:$0x5] =	wrdreg $0x9  }
0xb3: {  	_ =	task.clear_ibuf [dreg:s8], $0x6FFFF;
	_ =	strace $0x90000046  }
0xb4: {  	s29 =	simm.s32 $0x9;
	_ =	strace $0x80000048  }
0xb5: {  	_ =	swait.ge [sflag:s29], $0x1  }
0xb6: {  	[sflag:s29] =	ssyncadd.s32 $0xFFFFFFFF  }
0xb7: {  	_ =	strace $0x90000048  }
0xb8: {  	_ =	sfence  }
0xb9: {  	s30 =	sld [smem:$0x0];
	_ =	sdelay $0x2  }
0xba: {  	s31 =	sshll.u32 s1, $0xD;
	s1 =	sshrl.u32 s1, $0x2  }
0xbb: {  	s3 =	sand.u32 $0x4000, s31;
	s1 =	sadd.s32 s1, s30  }
0xbc: {  	s0 =	sor.u32 s3, s0;
	s1 =	sshll.u32 s1, $0x11  }
0xbd: {  	s0 =	sor.u32 s1, s0  }
0xbe: {  	s0 =	sadd.s32 $0x8F2B, s0  }
0xbf: {  	[sflag:s0] =	ssyncadd.remote.s32 $0x1  }
0xc0: {  	_ =	sfence.sel $0xFFFF  }
0xc1: {  	[dreg:$0x0] =	wrdreg $0xFFFFFFFF;
	(pc) =	sbr.abs _section_cstart, $3  }
0xc2: {  	[dreg:$0x1] =	wrdreg $0xFFFFFFFF  }
0xc3: {  	_ =	task.clear_ibuf [dreg:s8], $0x2FFFF;
	_ =	strace $0x9FFFFFFF  }
0xc4: {  	(tm) =	ssettm $0x7FFFFFFF  }
0xc5: {  	_ =	shalt  }
tec
execute0_lowered:
.L_overlay_start_1:
0x0: {  	(tag) =	ssettag $0x1  }
0x1: {  	s0 =	rddreg [dreg:$0x2];
	s3 =	simm.s32 $0x0  }
0x2: {  	s1 =	srdreg.scid;
	s6 =	stileid.u32;
	s10 =	simm.s32 $0x8000  }
0x3: {  	s11 =	simm.s32 $0x1;
	s12 =	simm.s32 $0x2;
	[smem:$0x7FF] =	sst s3  }
0x4: {  	s1 =	sand.u32 $0x1, s1;
	s5 =	sshll.u32 s6, $0xF;
	s6 =	sshll.u32 s6, $0x5  }
0x5: {  	_ =	strace $0x80000047;
	s2 =	sshll.u32 s1, $0x4;
	s4 =	ssub.s32 $0x2, s1  }
.Ltmp0:
0x6: {  	s1 =	sshll.u32 s1, $0x6;
	s0 =	sadd.s32 s2, s0;
	(pc) =	sbr.rel .LBB2_1-.Ltmp0, $4  }
0x7: {  	s30 =	sshrl.u32 s4, $0x1;
	s1 =	sor.u32 s5, s1;
	s0 =	sadd.s32 s6, s0  }
0x8: {  	s2 =	ssub.s32 s4, s30;
	[dreg:$0x4] =	wrdreg s1;
	s0 =	sadd.s32 $0x600, s0  }
0x9: {  	s13 =	simm.s32 $0x18000;
	s31 =	smax.u32 s2, $0x1;
	[dreg:$0x5] =	wrdreg s0  }
0xa: {  	v0 =	vimm.s32 $0x0;
	v1 =	vlaneseq.u32;
	s16 =	simm.s32 $0x10000;
	s2 =	simm.s32 $0x0;
	[dreg:$0x6] =	wrdreg s31  }
.LBB2_24:
0xb: {  	v2 =	vcvt.s32.f32 v40  }
0xc: {  	[tilespmem:$0x1F080] =	vst v4;
	v3 =	vcvt.s32.f32 v38  }
0xd: {  	[tilespmem:$0x1F090] =	vst v5;
	v63 =	vcvt.s32.f32 v39;
	v2 =	vsel vm1, $0x0, v2  }
0xe: {  	[tilespmem:$0x1F0A0] =	vst v2;
	v2 =	vsel vm1, $0x0, v3  }
0xf: {  	[tilespmem:$0x1F0B0] =	vst v2;
	v2 =	vsel vm1, $0x0, v63  }
0x10: {  	[tilespmem:$0x1F0C0] =	vst v2;
	v2 =	vimm.f32 $0.0e+00  }
0x11: {  	s0 =	rddreg [dreg:$0x5];
	s1 =	simm.s32 $0x1F080;
	s30 =	simm.s32 $0x3;
	[tilespmem:$0x1F0D0] =	vst v2  }
0x12: {  	[hbm4b:s0+s3] =	stream.linear.scatter [tilespmem:s1], [sflag:$0x3], $0x80, $0x38;
	[tilespmem:$0x1F100] =	vst v63  }
0x13: {  	_ =	swait.ge [sflag:s30], $0x80  }
0x14: {  	s2 =	rddreg [dreg:$0x7]  }
0x15: {  	s31 =	rddreg [dreg:$0x6];
	s2 =	sadd.s32 $0x1, s2  }
0x16: {  	p0 =	sne.s32 s2, s31  }
.Ltmp1:
0x17: {  	_ = 	snop;
	(pc) =	sbr.rel @!p0 .LBB2_25-.Ltmp1, $3  }
0x18: {  	_ =	sdelay $0x1  }
0x19: {  	[sflag:s30] =	ssyncset.done $0x0  }
0x1a: {  	[sflag:s30] =	ssyncadd.s32 $0xFFFFFF80  }
.LBB2_1:
.Ltmp2:
0x1b: {  	(pc) =	sbr.rel .LBB2_2-.Ltmp2, $3  }
0x1c: {  	_ =	sdelay $0x1  }
0x1d: {  	v39 =	vimm.s32 $0x0;
	v38 =	vimm.s32 $0x0  }
0x1e: {  	[dreg:$0x7] =	wrdreg s2;
	v40 =	vimm.s32 $0x0;
	v5 =	vimm.f32 $0.0e+00;
	v4 =	vimm.f32 $0.0e+00;
	s18 =	simm.s32 $0x0  }
.LBB2_23:
0x1f: {  	(xrf2) =	vadd.scan.msk.f32 $0xffff, v9  }
0x20: {  	(xrf2) =	vadd.scan.msk.f32 $0xffff, v8;
	_ =	sdelay $0x8  }
0x21: {  	v2, _, _ =	vpop (xrf2)  }
0x22: {  	(xrf2) =	vadd.scan.msk.f32 $0xffff, v10;
	v3, _, _ =	vpop (xrf2)  }
0x23: {  	v2 =	vadd.f32 v3, v2;
	_ =	sdelay $0x1  }
0x24: {  	v2 =	vadd.f32 $1.000000000e+00, v2;
	_ =	sdelay $0x1  }
0x25: {  	(erf) = vrcp.f32 v2;
	_ =	sdelay $0x2  }
0x26: {  	s0 =	sadd.s32 s26, s24  }
0x27: {  	s0 =	ssub.s32 s25, s0  }
0x28: {  	s0 =	sadd.s32 s28, s0;
	v2, _, _ =	vpop (xrf2)  }
0x29: {  	s0 =	sadd.s32 $0xFFFFF000, s0;
	v2 =	vadd.f32 v2, v2  }
0x2a: {  	s1 =	sshll.u32 s23, $0xA;
	v3 =	vmov s0  }
0x2b: {  	s31 =	sor.u32 $0x200, s1;
	v3 =	vcvt.s32.f32 v3;
	v2 =	vadd.f32 $1.000000000e+00, v2  }
0x2c: {  	s18 =	sadd.s32 $0x1, s18;
	v5 =	vmov s31;
	v6 =	vpop (erf)  }
0x2d: {  	p0 =	sne.s32 s18, $0x4;
	v3 =	vmul.f32 v3, v5;
	v5 =	vld [tilespmem:$0x1FFF0];
	v2 =	vmul.f32 v6, v2  }
.Ltmp3:
0x2e: {  	_ = 	snop;
	(pc) =	sbr.rel @!p0 .LBB2_24-.Ltmp3, $4  }
0x2f: {  	v3 =	vbroadcast v3, $0x0;
	v2 =	vsub.f32 $1.000000000e+00, v2  }
0x30: {  	vm1 =	vmmov $0x7fff;
	vm0 =	vcmask $0x3F3C  }
0x31: {  	v3 =	vnsel vm0, $0x0, v3;
	v2 =	vsel vm1, $0x0, v2  }
0x32: {  	v4 =	vsub.f32 v4, v3;
	v5 =	vadd.f32 v2, v5  }
.LBB2_2:
0x33: {  	s0 =	sshll.u32 s18, $0x4;
	s1 =	rddreg [dreg:$0x4]  }
0x34: {  	[tilespmem:$0x1FFC0] =	vst v40;
	s30 =	rddreg [dreg:$0x0];
	s2 =	simm.s32 $0x80;
	s0 =	sadd.s32 s1, s0  }
0x35: {  	[tilespmem:$0x1FFD0] =	vst v39;
	s4 =	simm.s32 $0x400;
	s31 =	rddreg [dreg:$0x1];
	s1 =	sadd.s32 s30, s0  }
0x36: {  	[tilespmem:s3], [sflag:$0x1] =	stream.strided.gather [hbm4b:s1+s2], $0x8000, s4, s2, $0x38;
	[tilespmem:$0x1F100] =	vst v63  }
0x37: {  	[tilespmem:$0x1FFE0] =	vst v38;
	s0 =	sadd.s32 s31, s0  }
0x38: {  	[tilespmem:s10], [sflag:$0x2] =	stream.strided.gather [hbm4b:s0+s2], $0x8000, s4, s2, $0x38;
	[tilespmem:$0x1F100] =	vst v63  }
0x39: {  	[tilespmem:$0x1FFF0] =	vst v5;
	s0 =	simm.s32 $0x18040  }
0x3a: {  	[tilespmem:s0+$0xFFFFFFC0] =	vst v0  }
0x3b: {  	[tilespmem:s0+$0x30] =	vst v0  }
0x3c: {  	[tilespmem:s0+$0x20] =	vst v0  }
0x3d: {  	[tilespmem:s0+$0x10] =	vst v0  }
0x3e: {  	[tilespmem:s0+$0x0] =	vst v0  }
0x3f: {  	[tilespmem:s0+$0xFFFFFFF0] =	vst v0  }
0x40: {  	s1 =	simm.s32 $0x0;
	[tilespmem:s0+$0xFFFFFFE0] =	vst v0  }
.LBB2_3:
0x41: {  	s1 =	sadd.s32 $0x8, s1;
	[tilespmem:s0+$0xFFFFFFD0] =	vst v0;
	s0 =	sadd.s32 $0x80, s0  }
0x42: {  	[tilespmem:s0+$0xFFFFFFC0] =	vst v0;
	p0 =	slt.u32 s1, $0xF8  }
0x43: {  	[tilespmem:s0+$0x30] =	vst v0  }
.Ltmp4:
0x44: {  	[tilespmem:s0+$0x20] =	vst v0;
	(pc) =	sbr.rel @p0 .LBB2_3-.Ltmp4, $4  }
0x45: {  	[tilespmem:s0+$0x10] =	vst v0  }
0x46: {  	[tilespmem:s0+$0x0] =	vst v0  }
0x47: {  	[tilespmem:s0+$0xFFFFFFF0] =	vst v0  }
0x48: {  	[tilespmem:s0+$0xFFFFFFE0] =	vst v0  }
0x49: {  	[tilespmem:s0+$0xFFFFFFD0] =	vst v0  }
0x4a: {  	[tilespmem:$0x19000] =	vst v0  }
0x4b: {  	_ =	swait.ge [sflag:s11], $0x8000  }
0x4c: {  	[sflag:s11] =	ssyncset.done $0x0  }
0x4d: {  	[sflag:s11] =	ssyncadd.s32 $0xFFFF8000  }
0x4e: {  	_ =	swait.ge [sflag:s12], $0x8000  }
0x4f: {  	[sflag:s12] =	ssyncset.done $0x0  }
0x50: {  	s28 =	simm.s32 $0x40;
	[sflag:s12] =	ssyncadd.s32 $0xFFFF8000  }
0x51: {  	v22 =	vld [tilespmem:s28+$0x30]  }
0x52: {  	v13 =	vld [tilespmem:s28+$0xFFFFFFD0]  }
0x53: {  	v8 =	vld [tilespmem:s28+$0xFFFFFFE0]  }
0x54: {  	v11 =	vld [tilespmem:s28+$0xFFFFFFF0]  }
0x55: {  	v14 =	vld [tilespmem:s28+$0xFFFFFFC0]  }
0x56: {  	s29 =	simm.s32 $0x8040;
	v12 =	vld [tilespmem:s28+$0x0]  }
0x57: {  	v23 =	vld [tilespmem:s29+$0x30];
	v9 =	vand.u32 $0x7FFFFFFF, v22  }
0x58: {  	v9 =	vsub.f32 $0.0e+00, v9  }
0x59: {  	v15 =	vand.u32 $0x7FFFFFFF, v13  }
0x5a: {  	v16 =	vand.u32 $0x7FFFFFFF, v8;
	v17 =	vand.u32 $0x7FFFFFFF, v11;
	v10 =	vmul.f32 $1.442695020e+00, v9  }
0x5b: {  	v18 =	vand.u32 $0x7FFFFFFF, v14;
	v19 =	vand.u32 $0x7FFFFFFF, v12;
	v15 =	vsub.f32 $0.0e+00, v15;
	v9 =	vld [tilespmem:s28+$0x10]  }
0x5c: {  	v52 =	vld [tilespmem:s29+$0xFFFFFFC0];
	v23 =	vmul.f32 v23, v22;
	v16 =	vsub.f32 $0.0e+00, v16;
	(erf) = vpow2.f32 v10  }
0x5d: {  	v22 =	vmax.f32 v22, $0.0e+00;
	v17 =	vsub.f32 $0.0e+00, v17;
	v15 =	vmul.f32 $1.442695020e+00, v15;
	v10 =	vld [tilespmem:s28+$0x20]  }
0x5e: {  	v63 =	vld [tilespmem:s29+$0xFFFFFFF0];
	v18 =	vsub.f32 $0.0e+00, v18;
	v19 =	vsub.f32 $0.0e+00, v19;
	v16 =	vmul.f32 $1.442695020e+00, v16  }
0x5f: {  	v22 =	vsub.f32 v22, v23;
	v17 =	vmul.f32 $1.442695020e+00, v17;
	(erf) = vpow2.f32 v15  }
0x60: {  	v53 =	vld [tilespmem:s29+$0xFFFFFFD0];
	v18 =	vmul.f32 $1.442695020e+00, v18;
	(erf) = vpow2.f32 v16;
	v15 =	vand.u32 $0x7FFFFFFF, v9  }
0x61: {  	(erf) = vpow2.f32 v17;
	v17 =	vmul.f32 $1.442695020e+00, v19;
	v19 =	vmax.f32 v14, $0.0e+00  }
0x62: {  	v14 =	vmul.f32 v52, v14;
	v15 =	vsub.f32 $0.0e+00, v15;
	v16 =	vand.u32 $0x7FFFFFFF, v10  }
0x63: {  	v52 =	vmul.f32 v63, v11;
	(erf) = vpow2.f32 v18;
	v16 =	vsub.f32 $0.0e+00, v16  }
0x64: {  	(erf) = vpow2.f32 v17;
	v54 =	vsub.f32 v19, v14;
	v18 =	vmul.f32 $1.442695020e+00, v15  }
0x65: {  	v15 =	vmax.f32 v13, $0.0e+00;
	v13 =	vmul.f32 v53, v13;
	v20 =	vmul.f32 $1.442695020e+00, v16;
	v21 =	vpop (erf)  }
0x66: {  	v16 =	vmax.f32 v8, $0.0e+00;
	(erf) = vpow2.f32 v18;
	v17 =	vmul.f32 $2.838231920e-01, v21  }
0x67: {  	v56 =	vsub.f32 v15, v13;
	(erf) = vpow2.f32 v20;
	v24 =	vmul.f32 v21, v21  }
0x68: {  	v18 =	vmax.f32 v12, $0.0e+00;
	v25 =	vmul.f32 $9.991664290e-01, v21;
	v27 =	vmul.f32 $2.980876530e-02, v21;
	v28 =	vpop (erf)  }
0x69: {  	v20 =	vmax.f32 v9, $0.0e+00;
	v31 =	vmul.f32 $2.838231920e-01, v28;
	v40 =	vmul.f32 v28, v28  }
0x6a: {  	v21 =	vmax.f32 v10, $0.0e+00;
	v29 =	vpop (erf);
	v41 =	vmul.f32 $9.991664290e-01, v28;
	v28 =	vmul.f32 $2.980876530e-02, v28  }
0x6b: {  	v26 =	vadd.f32 $-4.896990950e-01, v17;
	v17 =	vmax.f32 v11, $0.0e+00;
	v32 =	vmul.f32 $2.838231920e-01, v29  }
0x6c: {  	v25 =	vadd.f32 $1.144709770e-05, v25;
	v30 =	vpop (erf);
	v42 =	vmul.f32 v29, v29;
	v43 =	vmul.f32 $9.991664290e-01, v29  }
0x6d: {  	v27 =	vadd.f32 $-1.299571990e-01, v27;
	v29 =	vmul.f32 $2.980876530e-02, v29;
	v33 =	vmul.f32 $2.838231920e-01, v30  }
0x6e: {  	v31 =	vadd.f32 $-4.896990950e-01, v31;
	v41 =	vadd.f32 $1.144709770e-05, v41;
	v44 =	vmul.f32 v30, v30  }
0x6f: {  	v45 =	vmul.f32 $9.991664290e-01, v30;
	v28 =	vadd.f32 $-1.299571990e-01, v28;
	v30 =	vmul.f32 $2.980876530e-02, v30  }
0x70: {  	v26 =	vmul.f32 v26, v24;
	v24 =	vmul.f32 v24, v24;
	v32 =	vadd.f32 $-4.896990950e-01, v32  }
0x71: {  	v43 =	vadd.f32 $1.144709770e-05, v43;
	v29 =	vadd.f32 $-1.299571990e-01, v29;
	v31 =	vmul.f32 v31, v40  }
0x72: {  	v62 =	vld [tilespmem:s29+$0xFFFFFFE0];
	v45 =	vadd.f32 $1.144709770e-05, v45;
	v40 =	vmul.f32 v40, v40;
	v24 =	vmul.f32 v27, v24  }
0x73: {  	v25 =	vadd.f32 v26, v25;
	v32 =	vmul.f32 v32, v42;
	v42 =	vmul.f32 v42, v42  }
0x74: {  	v30 =	vadd.f32 $-1.299571990e-01, v30;
	v31 =	vadd.f32 v31, v41;
	v28 =	vmul.f32 v28, v40;
	v26 =	vpop (erf)  }
0x75: {  	v24 =	vadd.f32 v25, v24;
	v29 =	vmul.f32 v29, v42;
	v27 =	vmul.f32 $2.838231920e-01, v26  }
0x76: {  	v32 =	vadd.f32 v32, v43;
	v59 =	vmul.f32 v26, v26;
	v39 =	vmul.f32 $9.991664290e-01, v26  }
0x77: {  	v34 =	vpop (erf);
	v26 =	vmul.f32 $2.980876530e-02, v26;
	v31 =	vadd.f32 v31, v28;
	v28 =	vmul.f32 v62, v8  }
0x78: {  	v23 =	vmul.f32 $2.838231920e-01, v34;
	v25 =	vadd.f32 v24, v22;
	v22 =	vadd.f32 $-4.896990950e-01, v33  }
0x79: {  	v46 =	vmul.f32 v34, v34;
	v47 =	vmul.f32 $9.991664290e-01, v34;
	v29 =	vadd.f32 v32, v29  }
0x7a: {  	v35 =	vpop (erf);
	v34 =	vmul.f32 $2.980876530e-02, v34;
	v32 =	vsub.f32 v17, v52;
	v27 =	vadd.f32 $-4.896990950e-01, v27  }
0x7b: {  	v36 =	vmul.f32 $2.838231920e-01, v35;
	v39 =	vadd.f32 $1.144709770e-05, v39;
	v48 =	vmul.f32 v35, v35  }
0x7c: {  	v26 =	vadd.f32 $-1.299571990e-01, v26;
	v49 =	vmul.f32 $9.991664290e-01, v35;
	v35 =	vmul.f32 $2.980876530e-02, v35  }
0x7d: {  	s30 =	simm.s32 $0xC0;
	v37 =	vpop (erf);
	v33 =	vmul.f32 v59, v59;
	v57 =	vsub.f32 v16, v28;
	v31 =	vadd.f32 v31, v56  }
0x7e: {  	v42 =	vld [tilespmem:s30+$0x30];
	v38 =	vmul.f32 $2.838231920e-01, v37;
	v23 =	vadd.f32 $-4.896990950e-01, v23;
	v50 =	vmul.f32 v37, v37  }
0x7f: {  	v6 =	vshrl.u32 v25, $0x14;
	v51 =	vmul.f32 $9.991664290e-01, v37;
	v37 =	vmul.f32 $2.980876530e-02, v37  }
0x80: {  	v47 =	vadd.f32 $1.144709770e-05, v47;
	v22 =	vmul.f32 v22, v44;
	v34 =	vadd.f32 $-1.299571990e-01, v34  }
0x81: {  	v44 =	vmul.f32 v44, v44;
	v36 =	vadd.f32 $-4.896990950e-01, v36;
	v27 =	vmul.f32 v27, v59  }
0x82: {  	v8 =	vld [tilespmem:s30+$0xFFFFFFE0];
	v49 =	vadd.f32 $1.144709770e-05, v49;
	v35 =	vadd.f32 $-1.299571990e-01, v35;
	v60 =	vmul.f32 v48, v48  }
0x83: {  	v26 =	vmul.f32 v26, v33;
	v13 =	vand.u32 $0x7FFFFFFF, v42;
	v43 =	vshrl.u32 v31, $0x14  }
0x84: {  	v38 =	vadd.f32 $-4.896990950e-01, v38;
	v23 =	vmul.f32 v23, v46;
	v51 =	vadd.f32 $1.144709770e-05, v51  }
0x85: {  	v28 =	vld [tilespmem:s30+$0xFFFFFFC0];
	v46 =	vmul.f32 v46, v46;
	v37 =	vadd.f32 $-1.299571990e-01, v37;
	v61 =	vmul.f32 v50, v50  }
0x86: {  	v22 =	vadd.f32 v22, v45;
	v30 =	vmul.f32 v30, v44;
	v13 =	vsub.f32 $0.0e+00, v13  }
0x87: {  	v17 =	vand.u32 $0x7FFFFFFF, v8;
	v36 =	vmul.f32 v36, v48;
	v27 =	vadd.f32 v27, v39  }
0x88: {  	v11 =	vld [tilespmem:s30+$0xFFFFFFF0];
	v17 =	vsub.f32 $0.0e+00, v17;
	v38 =	vmul.f32 v38, v50;
	v23 =	vadd.f32 v23, v47  }
0x89: {  	v47 =	vld [tilespmem:s29+$0x0];
	v34 =	vmul.f32 v34, v46;
	v37 =	vmul.f32 v37, v61;
	v22 =	vadd.f32 v22, v30  }
0x8a: {  	v13 =	vmul.f32 $1.442695020e+00, v13;
	v61 =	vand.u32 $0x7FFFFFFF, v28;
	v36 =	vadd.f32 v36, v49;
	v49 =	vld [tilespmem:s29+$0x10]  }
0x8b: {  	v35 =	vmul.f32 v35, v60;
	v27 =	vadd.f32 v27, v26;
	v26 =	vld [tilespmem:s30+$0xFFFFFFD0];
	v63 =	vsub.f32 $0.0e+00, v61  }
0x8c: {  	s19 =	simm.s32 $0x80C0;
	v38 =	vadd.f32 v38, v51;
	v51 =	vld [tilespmem:s29+$0x20];
	v23 =	vadd.f32 v23, v34;
	(erf) = vpow2.f32 v13  }
0x8d: {  	v13 =	vmul.f32 $1.442695020e+00, v17;
	v32 =	vadd.f32 v22, v32;
	v22 =	vld [tilespmem:s19+$0x30];
	v27 =	vadd.f32 v27, v54  }
0x8e: {  	v34 =	vadd.f32 v29, v57;
	v30 =	vadd.f32 v36, v35;
	v40 =	vmul.f32 $1.442695020e+00, v63  }
0x8f: {  	v35 =	vadd.f32 v38, v37;
	v12 =	vmul.f32 v47, v12;
	v39 =	vshrl.u32 v27, $0x14  }
0x90: {  	v53 =	vmul.f32 v49, v9;
	v9 =	vld [tilespmem:s30+$0x0];
	v15 =	vand.u32 $0x7FFFFFFF, v26;
	v14 =	vmax.f32 v26, $0.0e+00  }
0x91: {  	v55 =	vmul.f32 v51, v10;
	v10 =	vld [tilespmem:s30+$0x10];
	v58 =	vsub.f32 v18, v12;
	v16 =	vsub.f32 $0.0e+00, v15  }
0x92: {  	v12 =	vld [tilespmem:s30+$0x20];
	v15 =	vmax.f32 v8, $0.0e+00;
	v18 =	vand.u32 $0x7FFFFFFF, v11;
	v22 =	vmul.f32 v22, v42  }
0x93: {  	v42 =	vmax.f32 v42, $0.0e+00;
	v18 =	vsub.f32 $0.0e+00, v18;
	v20 =	vsub.f32 v20, v53  }
0x94: {  	v16 =	vmul.f32 $1.442695020e+00, v16;
	v21 =	vsub.f32 v21, v55;
	v29 =	vadd.f32 v23, v58  }
0x95: {  	v22 =	vsub.f32 v42, v22;
	v62 =	vmul.f32 $1.442695020e+00, v18;
	v20 =	vadd.f32 v30, v20  }
0x96: {  	v19 =	vand.u32 $0x7FFFFFFF, v9;
	(erf) = vpow2.f32 v16;
	v21 =	vadd.f32 v35, v21  }
0x97: {  	v51 =	vpop (erf);
	v19 =	vsub.f32 $0.0e+00, v19;
	v59 =	vand.u32 $0x7FFFFFFF, v10;
	v60 =	vand.u32 $0x7FFFFFFF, v12  }
0x98: {  	(erf) = vpow2.f32 v13;
	v13 =	vmax.f32 v10, $0.0e+00;
	v52 =	vmul.f32 $2.838231920e-01, v51  }
0x99: {  	v16 =	vmax.f32 v12, $0.0e+00;
	v53 =	vmul.f32 v51, v51;
	v23 =	vmul.f32 $9.991664290e-01, v51  }
0x9a: {  	v33 =	vmul.f32 $2.980876530e-02, v51;
	v17 =	vsub.f32 $0.0e+00, v59;
	(erf) = vpow2.f32 v62  }
0x9b: {  	v18 =	vsub.f32 $0.0e+00, v60;
	v48 =	vmul.f32 $1.442695020e+00, v19;
	v30 =	vadd.f32 $-4.896990950e-01, v52  }
0x9c: {  	(erf) = vpow2.f32 v40;
	v54 =	vmul.f32 v53, v53;
	v23 =	vadd.f32 $1.144709770e-05, v23  }
0x9d: {  	v33 =	vadd.f32 $-1.299571990e-01, v33;
	v49 =	vmul.f32 $1.442695020e+00, v17;
	v30 =	vmul.f32 v30, v53  }
0x9e: {  	v19 =	vmax.f32 v28, $0.0e+00;
	v50 =	vmul.f32 $1.442695020e+00, v18;
	(erf) = vpow2.f32 v48  }
0x9f: {  	(xrf1) =	vunique.msk.u32 $0xffff, v6;
	(erf) = vpow2.f32 v49;
	v23 =	vadd.f32 v30, v23;
	v30 =	vmul.f32 v33, v54;
	v38 =	vpop (erf)  }
0xa0: {  	v18 =	vmax.f32 v11, $0.0e+00;
	(erf) = vpow2.f32 v50;
	v55 =	vmul.f32 $2.838231920e-01, v38  }
0xa1: {  	v23 =	vadd.f32 v23, v30;
	v35 =	vpop (erf);
	v53 =	vmul.f32 v38, v38;
	v54 =	vmul.f32 $9.991664290e-01, v38  }
0xa2: {  	s31 =	simm.s32 $0x10040;
	(xrf1) =	vunique.msk.u32 $0xffff, v39;
	v17 =	vmax.f32 v9, $0.0e+00;
	v38 =	vmul.f32 $2.980876530e-02, v38;
	v56 =	vmul.f32 $2.838231920e-01, v35  }
0xa3: {  	[tilespmem:s31+$0xFFFFFFF0] =	vst v32;
	v41 =	vpop (erf);
	v49 =	vadd.f32 v23, v22;
	v22 =	vshrl.u32 v34, $0x14;
	v23 =	vshrl.u32 v32, $0x14  }
0xa4: {  	(xrf1) =	vunique.msk.u32 $0xffff, v43;
	v32 =	vshrl.u32 v29, $0x14;
	v59 =	vmul.f32 $2.838231920e-01, v41;
	v37 =	vadd.f32 $-4.896990950e-01, v55  }
0xa5: {  	[tilespmem:s31+$0x30] =	vst v25;
	v57 =	vpop (erf);
	v55 =	vmul.f32 v35, v35;
	v54 =	vadd.f32 $1.144709770e-05, v54;
	v25 =	vmul.f32 $2.980876530e-02, v41  }
0xa6: {  	v58 =	vmul.f32 $2.838231920e-01, v57;
	v50 =	vmul.f32 v57, v57;
	v51 =	vshrl.u32 v49, $0x14  }
0xa7: {  	v38 =	vadd.f32 $-1.299571990e-01, v38;
	v63 =	vmul.f32 $9.991664290e-01, v57;
	v33 =	vmul.f32 $2.980876530e-02, v57;
	(xrf1) =	vunique.msk.u32 $0xffff, v51  }
0xa8: {  	v40 =	vadd.f32 $-4.896990950e-01, v56;
	v56 =	vmul.f32 $9.991664290e-01, v35;
	v35 =	vmul.f32 $2.980876530e-02, v35  }
0xa9: {  	v45 =	vpop (erf);
	v44 =	vadd.f32 $-4.896990950e-01, v59;
	v59 =	vmul.f32 $9.991664290e-01, v41;
	v24 =	vadd.f32 $-1.299571990e-01, v25  }
0xaa: {  	v37 =	vmul.f32 v37, v53;
	v60 =	vmul.f32 $2.838231920e-01, v45;
	v36 =	vadd.f32 $-4.896990950e-01, v58  }
0xab: {  	v30 =	vpop (erf);
	v52 =	vadd.f32 $1.144709770e-05, v63;
	v58 =	vmul.f32 v41, v41;
	v41 =	vmul.f32 v45, v45  }
0xac: {  	[tilespmem:s31+$0xFFFFFFC0] =	vst v27;
	v33 =	vadd.f32 $-1.299571990e-01, v33;
	v27 =	vmul.f32 v40, v55;
	v61 =	vmul.f32 $2.838231920e-01, v30;
	v47 =	vpop (erf)  }
0xad: {  	_, v57, vm1 =	vpop (xrf1);
	(xrf1) =	vunique.msk.u32 $0xffff, v22;
	v62 =	vmul.f32 $2.838231920e-01, v47;
	v46 =	vadd.f32 $-4.896990950e-01, v60;
	v60 =	vmul.f32 $9.991664290e-01, v45  }
0xae: {  	v56 =	vadd.f32 $1.144709770e-05, v56;
	(xrf1) =	vunique.msk.u32 $0xffff, v23;
	v45 =	vmul.f32 $2.980876530e-02, v45;
	v2 =	vmul.f32 v47, v47  }
0xaf: {  	v35 =	vadd.f32 $-1.299571990e-01, v35;
	v5 =	vmul.f32 $9.991664290e-01, v47;
	v47 =	vmul.f32 $2.980876530e-02, v47  }
0xb0: {  	[tilespmem:s31+$0x0] =	vst v29;
	v29 =	vld [tilespmem:s19+$0x10];
	v36 =	vmul.f32 v36, v50;
	v42 =	vadd.f32 $-4.896990950e-01, v61;
	v61 =	vmul.f32 v30, v30;
	_, v63, vm2 =	vpop (xrf1)  }
0xb1: {  	v48 =	vadd.f32 $-4.896990950e-01, v62;
	v62 =	vmul.f32 $9.991664290e-01, v30;
	v30 =	vmul.f32 $2.980876530e-02, v30  }
0xb2: {  	[tilespmem:s31+$0xFFFFFFD0] =	vst v31;
	v25 =	vld [tilespmem:s19+$0x0];
	v59 =	vadd.f32 $1.144709770e-05, v59;
	_, v3, vm3 =	vpop (xrf1);
	v31 =	vmul.f32 v46, v41;
	v46 =	vmul.f32 v42, v61  }
0xb3: {  	[tilespmem:v6+s13+$0x0] =	vst.idx.add.s32.msk vm1, v57;
	v42 =	vmul.f32 v50, v50;
	v50 =	vadd.f32 $-1.299571990e-01, v30;
	v30 =	vmul.f32 v53, v53  }
0xb4: {  	v40 =	vmul.f32 v44, v58;
	v44 =	vadd.f32 $-1.299571990e-01, v45;
	v45 =	vadd.f32 $1.144709770e-05, v62;
	v62 =	vld [tilespmem:s19+$0xFFFFFFC0]  }
0xb5: {  	[tilespmem:s31+$0xFFFFFFE0] =	vst v34;
	v34 =	vadd.f32 v37, v54;
	v61 =	vmul.f32 v61, v61;
	v54 =	vmul.f32 v38, v30;
	v30 =	vld [tilespmem:s19+$0xFFFFFFF0];
	_, v53, vm1 =	vpop (xrf1)  }
0xb6: {  	v57 =	vadd.f32 $1.144709770e-05, v60;
	v60 =	vmul.f32 v48, v2;
	v48 =	vmul.f32 v55, v55;
	[tilespmem:v39+s13+$0x0] =	vst.idx.add.s32.msk vm2, v63  }
0xb7: {  	v52 =	vadd.f32 v36, v52;
	v55 =	vmul.f32 v41, v41;
	v2 =	vmul.f32 v2, v2;
	v63 =	vld [tilespmem:s19+$0xFFFFFFD0]  }
0xb8: {  	v5 =	vadd.f32 $1.144709770e-05, v5;
	v33 =	vmul.f32 v33, v42;
	v42 =	vadd.f32 v40, v59;
	[tilespmem:v43+s13+$0x0] =	vst.idx.add.s32.msk vm3, v3  }
0xb9: {  	s22 =	simm.s32 $0x100C0;
	[tilespmem:s31+$0x10] =	vst v20;
	v41 =	vadd.f32 v31, v57;
	v48 =	vmul.f32 v35, v48;
	v43 =	vadd.f32 v27, v56;
	v27 =	vld [tilespmem:s19+$0xFFFFFFE0]  }
0xba: {  	[tilespmem:s22+$0x30] =	vst v49;
	v31 =	vld [tilespmem:s19+$0x20];
	v38 =	vadd.f32 v46, v45;
	v37 =	vadd.f32 v60, v5;
	v3 =	vmul.f32 v58, v58  }
0xbb: {  	v45 =	vmul.f32 v44, v55;
	v46 =	vmul.f32 v50, v61;
	v58 =	vadd.f32 $-1.299571990e-01, v47;
	[tilespmem:v51+s13+$0x0] =	vst.idx.add.s32.msk vm1, v53;
	_, v36, vm1 =	vpop (xrf1)  }
0xbc: {  	s21 =	simm.s32 $0x18FF0;
	v40 =	vadd.f32 v52, v33;
	v33 =	vmul.f32 v62, v28;
	v47 =	vmul.f32 v24, v3;
	_, v39, vm2 =	vpop (xrf1);
	(xrf1) =	vunique.msk.u32 $0xffff, v32  }
0xbd: {  	s20 =	simm.s32 $0xFF;
	s24 =	simm.s32 $0x8;
	s25 =	simm.s32 $0x140;
	[tilespmem:s31+$0x20] =	vst v21;
	v28 =	vadd.f32 v34, v54;
	v44 =	vmul.f32 v58, v2;
	v26 =	vmul.f32 v63, v26  }
.LBB2_5:
0xbe: {  	v35 =	vld [tilespmem:s25+$0x30];
	s24 =	sadd.s32 $0x8, s24;
	v2 =	vmul.f32 v27, v8;
	v3 =	vadd.f32 v43, v48;
	v5 =	vmul.f32 v30, v11  }
0xbf: {  	v27 =	vadd.f32 v42, v47;
	v25 =	vmul.f32 v25, v9;
	v29 =	vmul.f32 v29, v10;
	v24 =	vld [tilespmem:s25+$0xFFFFFFD0];
	p0 =	slt.u32 s24, $0x7F8  }
0xc0: {  	v30 =	vadd.f32 v41, v45;
	v34 =	vadd.f32 v38, v46;
	v31 =	vmul.f32 v31, v12;
	v8 =	vld [tilespmem:s25+$0xFFFFFFE0]  }
0xc1: {  	v41 =	vadd.f32 v37, v44;
	v37 =	vshrl.u32 v20, $0x14;
	v33 =	vsub.f32 v19, v33;
	v11 =	vld [tilespmem:s25+$0xFFFFFFF0]  }
0xc2: {  	v38 =	vshrl.u32 v21, $0x14;
	v20 =	vsub.f32 v14, v26;
	v2 =	vsub.f32 v15, v2;
	v9 =	vld [tilespmem:s25+$0x0];
	(xrf1) =	vunique.msk.u32 $0xffff, v37  }
0xc3: {  	v5 =	vsub.f32 v18, v5;
	v21 =	vsub.f32 v17, v25;
	v10 =	vld [tilespmem:s25+$0x10];
	v15 =	vand.u32 $0x7FFFFFFF, v35  }
0xc4: {  	v17 =	vand.u32 $0x7FFFFFFF, v24;
	v14 =	vmax.f32 v24, $0.0e+00;
	v12 =	vld [tilespmem:s25+$0x20];
	v18 =	vsub.f32 $0.0e+00, v15;
	(xrf1) =	vunique.msk.u32 $0xffff, v38  }
0xc5: {  	v26 =	vld [tilespmem:s25+$0xFFFFFFC0];
	v17 =	vsub.f32 $0.0e+00, v17;
	v19 =	vand.u32 $0x7FFFFFFF, v8;
	v15 =	vmax.f32 v8, $0.0e+00  }
0xc6: {  	v19 =	vsub.f32 $0.0e+00, v19;
	v25 =	vand.u32 $0x7FFFFFFF, v11;
	v18 =	vmul.f32 $1.442695020e+00, v18;
	[tilespmem:v22+s13+$0x0] =	vst.idx.add.s32.msk vm1, v36  }
0xc7: {  	v17 =	vmul.f32 $1.442695020e+00, v17;
	v22 =	vsub.f32 $0.0e+00, v25;
	v25 =	vand.u32 $0x7FFFFFFF, v9;
	[tilespmem:v23+s13+$0x0] =	vst.idx.add.s32.msk vm2, v39  }
0xc8: {  	v23 =	vsub.f32 $0.0e+00, v25;
	v25 =	vand.u32 $0x7FFFFFFF, v10;
	(erf) = vpow2.f32 v18  }
0xc9: {  	v36 =	vmul.f32 $1.442695020e+00, v19;
	v18 =	vsub.f32 $0.0e+00, v25;
	v19 =	vand.u32 $0x7FFFFFFF, v12  }
0xca: {  	v22 =	vmul.f32 $1.442695020e+00, v22;
	v25 =	vand.u32 $0x7FFFFFFF, v26;
	v39 =	vsub.f32 $0.0e+00, v19;
	_, v42, vm1 =	vpop (xrf1)  }
0xcb: {  	v23 =	vmul.f32 $1.442695020e+00, v23;
	v25 =	vsub.f32 $0.0e+00, v25;
	v43 =	vmul.f32 $1.442695020e+00, v18  }
0xcc: {  	v19 =	vmax.f32 v26, $0.0e+00;
	v39 =	vmul.f32 $1.442695020e+00, v39;
	(erf) = vpow2.f32 v17  }
0xcd: {  	v18 =	vmax.f32 v11, $0.0e+00;
	v25 =	vmul.f32 $1.442695020e+00, v25;
	(erf) = vpow2.f32 v36  }
0xce: {  	v17 =	vmax.f32 v9, $0.0e+00;
	v36 =	vmax.f32 v10, $0.0e+00;
	(erf) = vpow2.f32 v22  }
0xcf: {  	v22 =	vmax.f32 v12, $0.0e+00;
	(erf) = vpow2.f32 v25;
	v25 =	vsub.f32 v13, v29;
	v13 =	vmovc v36  }
0xd0: {  	v29 =	vsub.f32 v16, v31;
	(erf) = vpow2.f32 v23;
	v23 =	vadd.f32 v40, v33;
	[tilespmem:v32+s13+$0x0] =	vst.idx.add.s32.msk vm1, v42;
	_, v32, vm1 =	vpop (xrf1)  }
0xd1: {  	v2 =	vadd.f32 v3, v2;
	v31 =	vadd.f32 v28, v20;
	(erf) = vpow2.f32 v43;
	v16 =	vpop (erf)  }
0xd2: {  	s19 =	sadd.s32 $0x80, s19;
	v5 =	vadd.f32 v27, v5;
	v3 =	vmul.f32 $2.838231920e-01, v16;
	(erf) = vpow2.f32 v39;
	[tilespmem:s22+$0xFFFFFFC0] =	vst v23;
	_, v36, vm2 =	vpop (xrf1)  }
0xd3: {  	v28 =	vadd.f32 v30, v21;
	v20 =	vadd.f32 v34, v25;
	v27 =	vmul.f32 v16, v16;
	v39 =	vld [tilespmem:s19+$0x30];
	[tilespmem:s22+$0xFFFFFFD0] =	vst v31  }
0xd4: {  	v30 =	vmul.f32 $9.991664290e-01, v16;
	v6 =	vmul.f32 $2.980876530e-02, v16;
	v16 =	vmovc v22;
	v25 =	vld [tilespmem:s19+$0x0];
	v3 =	vadd.f32 $-4.896990950e-01, v3  }
0xd5: {  	v21 =	vadd.f32 v41, v29;
	v43 =	vshrl.u32 v23, $0x14;
	v22 =	vmul.f32 v27, v27;
	v33 =	vld [tilespmem:s19+$0xFFFFFFC0];
	v42 =	vpop (erf);
	[tilespmem:s22+$0xFFFFFFE0] =	vst v2  }
0xd6: {  	v7 =	vadd.f32 $1.144709770e-05, v30;
	v29 =	vadd.f32 $-1.299571990e-01, v6;
	v34 =	vld [tilespmem:s19+$0xFFFFFFD0];
	v3 =	vmul.f32 v3, v27;
	v40 =	vpop (erf);
	(xrf1) =	vunique.msk.u32 $0xffff, v43  }
0xd7: {  	v46 =	vshrl.u32 v31, $0x14;
	v41 =	vmul.f32 $2.838231920e-01, v42;
	v27 =	vld [tilespmem:s19+$0xFFFFFFE0];
	v44 =	vmul.f32 $2.838231920e-01, v40;
	v45 =	vpop (erf);
	[tilespmem:s22+$0xFFFFFFF0] =	vst v5  }
0xd8: {  	v22 =	vmul.f32 v29, v22;
	v30 =	vld [tilespmem:s19+$0xFFFFFFF0];
	v6 =	vmul.f32 v39, v35;
	v3 =	vadd.f32 v3, v7;
	v23 =	vpop (erf);
	(xrf1) =	vunique.msk.u32 $0xffff, v46  }
0xd9: {  	v48 =	vmul.f32 $2.838231920e-01, v45;
	v35 =	vmax.f32 v35, $0.0e+00;
	v47 =	vmul.f32 $2.838231920e-01, v23;
	v29 =	vld [tilespmem:s19+$0x10];
	v49 =	vpop (erf);
	[tilespmem:s22+$0x0] =	vst v28  }
0xda: {  	v50 =	vmul.f32 $2.838231920e-01, v49;
	v31 =	vld [tilespmem:s19+$0x20];
	v35 =	vsub.f32 v35, v6;
	v3 =	vadd.f32 v3, v22;
	v39 =	vpop (erf);
	[tilespmem:s22+$0x10] =	vst v20  }
0xdb: {  	v41 =	vadd.f32 $-4.896990950e-01, v41;
	v47 =	vadd.f32 $-4.896990950e-01, v47;
	v22 =	vmul.f32 $2.838231920e-01, v39;
	v51 =	vpop (erf);
	[tilespmem:v37+s13+$0x0] =	vst.idx.add.s32.msk vm1, v32  }
0xdc: {  	v32 =	vadd.f32 $-4.896990950e-01, v44;
	v37 =	vmul.f32 $2.838231920e-01, v51;
	v3 =	vadd.f32 v3, v35;
	[tilespmem:v38+s13+$0x0] =	vst.idx.add.s32.msk vm2, v36  }
0xdd: {  	v35 =	vmul.f32 v23, v23;
	v36 =	vadd.f32 $-4.896990950e-01, v48;
	v38 =	vadd.f32 $-4.896990950e-01, v50;
	[tilespmem:s22+$0x20] =	vst v21  }
0xde: {  	v44 =	vadd.f32 $-4.896990950e-01, v22;
	v37 =	vadd.f32 $-4.896990950e-01, v37;
	v50 =	vshrl.u32 v3, $0x14  }
0xdf: {  	v52 =	vmul.f32 $2.980876530e-02, v23;
	v48 =	vmul.f32 $9.991664290e-01, v23;
	v22 =	vshrl.u32 v2, $0x14;
	(xrf1) =	vunique.msk.u32 $0xffff, v50  }
0xe0: {  	v53 =	vmul.f32 $9.991664290e-01, v42;
	v23 =	vshrl.u32 v5, $0x14;
	v2 =	vmul.f32 v42, v42;
	(xrf1) =	vunique.msk.u32 $0xffff, v22  }
0xe1: {  	v42 =	vmul.f32 $2.980876530e-02, v42;
	v5 =	vadd.f32 $1.144709770e-05, v48;
	v48 =	vmul.f32 v40, v40;
	(xrf1) =	vunique.msk.u32 $0xffff, v23  }
0xe2: {  	v54 =	vmul.f32 $9.991664290e-01, v40;
	v52 =	vadd.f32 $-1.299571990e-01, v52;
	v40 =	vmul.f32 $2.980876530e-02, v40  }
0xe3: {  	v53 =	vadd.f32 $1.144709770e-05, v53;
	v55 =	vmul.f32 v45, v45;
	v56 =	vmul.f32 $9.991664290e-01, v45  }
0xe4: {  	v45 =	vmul.f32 $2.980876530e-02, v45;
	v57 =	vmul.f32 v49, v49;
	v42 =	vadd.f32 $-1.299571990e-01, v42;
	_, v58, vm1 =	vpop (xrf1)  }
0xe5: {  	v54 =	vadd.f32 $1.144709770e-05, v54;
	v59 =	vmul.f32 $9.991664290e-01, v49;
	v49 =	vmul.f32 $2.980876530e-02, v49  }
0xe6: {  	v60 =	vmul.f32 v39, v39;
	v61 =	vmul.f32 $9.991664290e-01, v39;
	v40 =	vadd.f32 $-1.299571990e-01, v40;
	_, v62, vm2 =	vpop (xrf1)  }
0xe7: {  	v56 =	vadd.f32 $1.144709770e-05, v56;
	v39 =	vmul.f32 $2.980876530e-02, v39;
	v63 =	vmul.f32 v51, v51  }
0xe8: {  	v45 =	vadd.f32 $-1.299571990e-01, v45;
	v7 =	vmul.f32 $9.991664290e-01, v51;
	v51 =	vmul.f32 $2.980876530e-02, v51  }
0xe9: {  	v59 =	vadd.f32 $1.144709770e-05, v59;
	v47 =	vmul.f32 v47, v35;
	v41 =	vmul.f32 v41, v2  }
0xea: {  	v49 =	vadd.f32 $-1.299571990e-01, v49;
	v6 =	vmul.f32 v36, v55;
	v32 =	vmul.f32 v32, v48;
	[tilespmem:v43+s13+$0x0] =	vst.idx.add.s32.msk vm1, v58  }
0xeb: {  	v38 =	vmul.f32 v38, v57;
	v44 =	vmul.f32 v44, v60;
	v58 =	vadd.f32 $1.144709770e-05, v61  }
0xec: {  	v35 =	vmul.f32 v35, v35;
	v37 =	vmul.f32 v37, v63;
	v61 =	vadd.f32 $-1.299571990e-01, v39;
	[tilespmem:v46+s13+$0x0] =	vst.idx.add.s32.msk vm2, v62  }
0xed: {  	v7 =	vadd.f32 $1.144709770e-05, v7;
	v2 =	vmul.f32 v2, v2;
	v46 =	vmul.f32 v48, v48;
	_, v62, vm3 =	vpop (xrf1)  }
0xee: {  	v55 =	vmul.f32 v55, v55;
	v57 =	vmul.f32 v57, v57;
	v51 =	vadd.f32 $-1.299571990e-01, v51;
	_, v36, vm1 =	vpop (xrf1)  }
0xef: {  	v60 =	vmul.f32 v60, v60;
	v5 =	vadd.f32 v47, v5;
	v63 =	vmul.f32 v63, v63;
	_, v39, vm2 =	vpop (xrf1)  }
0xf0: {  	v35 =	vmul.f32 v52, v35;
	v52 =	vadd.f32 v41, v53;
	v43 =	vadd.f32 v32, v54  }
.Ltmp5:
0xf1: {  	s22 =	sadd.s32 $0x80, s22;
	v2 =	vmul.f32 v42, v2;
	v42 =	vadd.f32 v6, v56;
	v41 =	vadd.f32 v38, v59;
	(pc) =	sbr.rel @p0 .LBB2_5-.Ltmp5, $4  }
0xf2: {  	v37 =	vadd.f32 v37, v7;
	v38 =	vadd.f32 v44, v58;
	v48 =	vmul.f32 v40, v46;
	[tilespmem:s22+$0x30] =	vst v3  }
0xf3: {  	s23 =	simm.s32 $0x0;
	v47 =	vmul.f32 v45, v55;
	v45 =	vmul.f32 v49, v57;
	v32 =	vshrl.u32 v28, $0x14;
	[tilespmem:v50+s13+$0x0] =	vst.idx.add.s32.msk vm3, v62  }
0xf4: {  	v44 =	vmul.f32 v51, v63;
	v40 =	vadd.f32 v5, v35;
	v46 =	vmul.f32 v61, v60;
	(xrf1) =	vunique.msk.u32 $0xffff, v32  }
0xf5: {  	s25 =	sadd.s32 $0x80, s25;
	v33 =	vmul.f32 v33, v26;
	v26 =	vmul.f32 v34, v24;
	v28 =	vadd.f32 v52, v2  }
0xf6: {  	v3 =	vshrl.u32 v20, $0x14  }
0xf7: {  	v7 =	vmul.f32 v27, v8;
	v8 =	vadd.f32 v43, v48;
	v2 =	vsub.f32 v19, v33;
	(xrf1) =	vunique.msk.u32 $0xffff, v3  }
0xf8: {  	v11 =	vmul.f32 v30, v11;
	v52 =	vadd.f32 v42, v47;
	v5 =	vsub.f32 v14, v26  }
0xf9: {  	v6 =	vshrl.u32 v21, $0x14;
	v7 =	vsub.f32 v15, v7;
	v2 =	vadd.f32 v40, v2  }
0xfa: {  	v9 =	vmul.f32 v25, v9;
	v11 =	vsub.f32 v18, v11;
	v5 =	vadd.f32 v28, v5  }
0xfb: {  	(xrf1) =	vunique.msk.u32 $0xffff, v6;
	v7 =	vadd.f32 v8, v7;
	v51 =	vshrl.u32 v2, $0x14  }
0xfc: {  	v8 =	vsub.f32 v17, v9;
	v9 =	vadd.f32 v52, v11;
	v53 =	vshrl.u32 v5, $0x14;
	(xrf1) =	vunique.msk.u32 $0xffff, v51  }
0xfd: {  	v54 =	vadd.f32 v41, v45;
	v10 =	vmul.f32 v29, v10;
	v11 =	vshrl.u32 v7, $0x14;
	(xrf1) =	vunique.msk.u32 $0xffff, v53  }
0xfe: {  	v12 =	vmul.f32 v31, v12;
	v56 =	vadd.f32 v38, v46;
	v55 =	vshrl.u32 v9, $0x14;
	(xrf1) =	vunique.msk.u32 $0xffff, v11  }
0xff: {  	v57 =	vadd.f32 v37, v44;
	v10 =	vsub.f32 v13, v10;
	(xrf1) =	vunique.msk.u32 $0xffff, v55  }
0x100: {  	v12 =	vsub.f32 v16, v12;
	v8 =	vadd.f32 v54, v8  }
0x101: {  	v10 =	vadd.f32 v56, v10  }
0x102: {  	v12 =	vadd.f32 v57, v12;
	v58 =	vshrl.u32 v8, $0x14  }
0x103: {  	v18 =	vshrl.u32 v10, $0x14;
	(xrf1) =	vunique.msk.u32 $0xffff, v58  }
0x104: {  	v61 =	vshrl.u32 v12, $0x14;
	_, v59, vm3 =	vpop (xrf1);
	(xrf1) =	vunique.msk.u32 $0xffff, v18  }
0x105: {  	_, v60, vm4 =	vpop (xrf1);
	(xrf1) =	vunique.msk.u32 $0xffff, v61;
	_ =	sdelay $0x1  }
0x106: {  	[tilespmem:v22+s13+$0x0] =	vst.idx.add.s32.msk vm1, v36  }
0x107: {  	[tilespmem:v23+s13+$0x0] =	vst.idx.add.s32.msk vm2, v39  }
0x108: {  	[tilespmem:s22+$0xFFFFFFC0] =	vst v2;
	_, v62, vm5 =	vpop (xrf1)  }
0x109: {  	[tilespmem:s22+$0xFFFFFFD0] =	vst v5;
	_, v22, vm1 =	vpop (xrf1)  }
0x10a: {  	[tilespmem:s22+$0xFFFFFFE0] =	vst v7;
	_, v63, vm12 =	vpop (xrf1)  }
0x10b: {  	[tilespmem:v3+s13+$0x0] =	vst.idx.add.s32.msk vm4, v60;
	_, v3, vm13 =	vpop (xrf1)  }
0x10c: {  	[tilespmem:s22+$0xFFFFFFF0] =	vst v9;
	_, v2, vm14 =	vpop (xrf1)  }
0x10d: {  	[tilespmem:s22+$0x10] =	vst v10  }
0x10e: {  	[tilespmem:s22+$0x20] =	vst v12  }
0x10f: {  	[tilespmem:v32+s13+$0x0] =	vst.idx.add.s32.msk vm3, v59  }
0x110: {  	_, v5, vm15 =	vpop (xrf1);
	[tilespmem:v51+s13+$0x0] =	vst.idx.add.s32.msk vm1, v22  }
0x111: {  	[tilespmem:v11+s13+$0x0] =	vst.idx.add.s32.msk vm13, v3;
	_, v3, vm3 =	vpop (xrf1)  }
0x112: {  	[tilespmem:v55+s13+$0x0] =	vst.idx.add.s32.msk vm14, v2;
	_, v2, vm1 =	vpop (xrf1)  }
0x113: {  	[tilespmem:s22+$0x0] =	vst v8  }
0x114: {  	[tilespmem:v6+s13+$0x0] =	vst.idx.add.s32.msk vm5, v62  }
0x115: {  	[tilespmem:v53+s13+$0x0] =	vst.idx.add.s32.msk vm12, v63  }
0x116: {  	[tilespmem:v58+s13+$0x0] =	vst.idx.add.s32.msk vm15, v5  }
0x117: {  	[tilespmem:v18+s13+$0x0] =	vst.idx.add.s32.msk vm3, v3  }
0x118: {  	[tilespmem:v61+s13+$0x0] =	vst.idx.add.s32.msk vm1, v2  }
0x119: {  	v2 =	vld [tilespmem:s21+$0x0];
	_ =	sdelay $0x4  }
0x11a: {  	(xrf0) =	vadd.scan.msk.s32 $0xffff, v2  }
0x11b: {  	v3 =	vld [tilespmem:s21+$0xFFFFFFF0]  }
0x11c: {  	v2 =	vld [tilespmem:s21+$0xFFFFFFE0];
	_ =	sdelay $0x3  }
0x11d: {  	(xrf0) =	vadd.scan.msk.s32 $0xffff, v3;
	v3, _, _ =	vpop (xrf0)  }
0x11e: {  	s0 =	simm.s32 $0x18FB0;
	(xrf0) =	vadd.scan.msk.s32 $0xffff, v2;
	(v2sf) =	vpush v3, $0xF;
	v3 =	vld [tilespmem:s21+$0xFFFFFFD0]  }
0x11f: {  	v2 =	vld [tilespmem:s0+$0x0];
	_ =	sdelay $0x3  }
0x120: {  	v5, _, _ =	vpop (xrf0);
	(xrf0) =	vadd.scan.msk.s32 $0xffff, v3  }
0x121: {  	v3, _, _ =	vpop (xrf0);
	(xrf0) =	vadd.scan.msk.s32 $0xffff, v2;
	_ =	sdelay $0x1  }
0x122: {  	(v2sf) =	vpush v5, $0xF;
	_ =	sdelay $0x1  }
0x123: {  	(v2sf) =	vpush v3, $0xF  }
0x124: {  	v2, _, _ =	vpop (xrf0)  }
0x125: {  	(v2sf) =	vpush v2, $0xF;
	v2, _, _ =	vpop (xrf0)  }
0x126: {  	(v2sf) =	vpush v2, $0xF;
	v2 =	vld [tilespmem:s0+$0xFFFFFFF0];
	_ =	sdelay $0x3  }
0x127: {  	v3 =	vld [tilespmem:s0+$0xFFFFFFE0]  }
0x128: {  	(xrf0) =	vadd.scan.msk.s32 $0xffff, v2  }
0x129: {  	s1 =	spop (v2sf)  }
0x12a: {  	s4 =	simm.s32 $0xFC;
	s1 =	sadd.s32 $0x0, s1  }
0x12b: {  	s24 =	simm.s32 $0xFB;
	p1 =	por $0x1, $0x1;
	v5 =	vld [tilespmem:s0+$0xFFFFFFD0];
	p0 =	sgt.s32 s1, $0xFFF  }
0x12c: {  	s25 =	simm.s32 $0xF8;
	s14 =	simm.s32 $0x18F70;
	p0 =	por !p1, !p0;
	(xrf0) =	vadd.scan.msk.s32 $0xffff, v3  }
0x12d: {  	s22 =	simm.s32 $0x0;
	v6 =	vld [tilespmem:s14+$0x0];
	s30 =	spop (v2sf);
	p0 =	por !p0, !p0  }
0x12e: {  	s15 =	simm.s32 $0x8;
	s2 =	sadd.s32 s30, s1;
	s22 =	simm.s32 @p0 $0x1;
	v3, _, _ =	vpop (xrf0)  }
0x12f: {  	p5 =	sgt.s32 s2, $0xFFF;
	p2 =	seq.s32 s22, $0x0;
	s6 =	spop (v2sf);
	(v2sf) =	vpush v3, $0xF  }
0x130: {  	s7 =	simm.s32 $0xFD;
	s19 =	simm.s32 $0x0;
	(xrf0) =	vadd.scan.msk.s32 $0xffff, v5;
	p1 =	por !p5, !p2  }
0x131: {  	s17 =	simm.s32 $0xF3;
	s21 =	simm.s32 $0xF7;
	p1 =	por !p1, !p1  }
0x132: {  	s19 =	smov.u32 @p0 s19;
	(xrf0) =	vadd.scan.msk.s32 $0xffff, v6;
	s6 =	sadd.s32 s6, s2;
	s22 =	simm.s32 @p1 $0x1;
	v5, _, _ =	vpop (xrf0)  }
0x133: {  	v2 =	vld [tilespmem:s14+$0xFFFFFFF0];
	s23 =	smov.u32 @p0 s20;
	p6 =	sgt.s32 s6, $0xFFF;
	p3 =	seq.s32 s22, $0x0;
	(v2sf) =	vpush v5, $0xF  }
0x134: {  	s19 =	smov.u32 @p1 s1;
	s1 =	simm.s32 $0xFE;
	p4 =	por !p6, !p3  }
0x135: {  	s23 =	smov.u32 @p1 s1;
	p0 =	por !p4, !p4;
	s31 =	spop (v2sf)  }
0x136: {  	v3, _, _ =	vpop (xrf0);
	s23 =	smov.u32 @p0 s7;
	s22 =	simm.s32 @p0 $0x1;
	s7 =	sadd.s32 s31, s6  }
0x137: {  	v8 =	vld [tilespmem:s14+$0xFFFFFFE0];
	s0 =	simm.s32 $0xF4;
	(v2sf) =	vpush v3, $0xF;
	p5 =	sgt.s32 s7, $0xFFF;
	p6 =	seq.s32 s22, $0x0  }
0x138: {  	(xrf0) =	vadd.scan.msk.s32 $0xffff, v2;
	v9, _, _ =	vpop (xrf0);
	s19 =	smov.u32 @p0 s2;
	s1 =	spop (v2sf);
	p1 =	por !p5, !p6  }
.LBB2_7:
0x139: {  	s15 =	sadd.s32 $0x4, s15;
	s1 =	sadd.s32 s7, s1;
	p1 =	por !p1, !p1  }
0x13a: {  	(v2sf) =	vpush v9, $0xF;
	s2 =	smov.u32 s24;
	s24 =	smov.u32 s21;
	s21 =	smov.u32 s17  }
0x13b: {  	v2 =	vld [tilespmem:s14+$0xFFFFFFD0];
	p2 =	sgt.s32 s1, $0xFFF;
	s23 =	smov.u32 @p1 s4;
	s22 =	simm.s32 @p1 $0x1  }
0x13c: {  	p0 =	slt.u32 s15, $0xFC;
	s19 =	smov.u32 @p1 s6;
	(xrf0) =	vadd.scan.msk.s32 $0xffff, v8;
	p3 =	seq.s32 s22, $0x0  }
0x13d: {  	s6 =	sadd.s32 $0xFFFFFFFD, s17;
	s14 =	sadd.s32 $0xFFFFFFC0, s14;
	p1 =	por !p3, !p2  }
0x13e: {  	s4 =	smov.u32 s25;
	v3 =	vld [tilespmem:s14+$0x0];
	v5, _, _ =	vpop (xrf0);
	p1 =	por !p1, !p1;
	s20 =	spop (v2sf)  }
0x13f: {  	s25 =	smov.u32 s0;
	(v2sf) =	vpush v5, $0xF;
	s22 =	simm.s32 @p1 $0x1;
	s20 =	sadd.s32 s20, s1  }
0x140: {  	s0 =	smov.u32 s6;
	(xrf0) =	vadd.scan.msk.s32 $0xffff, v2;
	p2 =	sgt.s32 s20, $0xFFF;
	p3 =	seq.s32 s22, $0x0  }
0x141: {  	s26 =	sadd.s32 $0xFFFFFFFE, s2;
	p2 =	por !p2, !p3  }
0x142: {  	s19 =	smov.u32 @p1 s7;
	v2, _, _ =	vpop (xrf0);
	p2 =	por !p2, !p2;
	s6 =	spop (v2sf)  }
0x143: {  	v5 =	vld [tilespmem:s14+$0xFFFFFFF0];
	(xrf0) =	vadd.scan.msk.s32 $0xffff, v3;
	(v2sf) =	vpush v2, $0xF;
	s19 =	smov.u32 @p2 s1;
	s22 =	simm.s32 @p2 $0x1;
	s6 =	sadd.s32 s6, s20  }
0x144: {  	s1 =	sadd.s32 $0xFFFFFFFF, s2;
	p3 =	sgt.s32 s6, $0xFFF;
	p4 =	seq.s32 s22, $0x0  }
.Ltmp6:
0x145: {  	s23 =	smov.u32 @p1 s2;
	p1 =	por !p3, !p4;
	(pc) =	sbr.rel @p0 .LBB2_7-.Ltmp6, $4  }
0x146: {  	s23 =	smov.u32 @p2 s1;
	v2, _, _ =	vpop (xrf0);
	p1 =	por !p1, !p1;
	s1 =	spop (v2sf)  }
0x147: {  	v8 =	vld [tilespmem:s14+$0xFFFFFFE0];
	(v2sf) =	vpush v2, $0xF;
	s23 =	smov.u32 @p1 s26;
	s22 =	simm.s32 @p1 $0x1;
	s7 =	sadd.s32 s1, s6  }
0x148: {  	s19 =	smov.u32 @p1 s20;
	(xrf0) =	vadd.scan.msk.s32 $0xffff, v5;
	p1 =	sgt.s32 s7, $0xFFF;
	p2 =	seq.s32 s22, $0x0  }
0x149: {  	s17 =	sadd.s32 $0xFFFFFFFC, s17;
	v9, _, _ =	vpop (xrf0);
	s1 =	spop (v2sf);
	p1 =	por !p1, !p2  }
0x14a: {  	p0 =	por !p1, !p1  }
0x14b: {  	s2 =	simm.s32 @!p0 $0x0  }
0x14c: {  	s2 =	simm.s32 @p0 $0x1  }
0x14d: {  	(v2sf) =	vpush v9, $0xF;
	s1 =	sadd.s32 s7, s1;
	s22 =	simm.s32 @p0 $0x1;
	[smem:$0x7FB] =	sst s2  }
0x14e: {  	p2 =	sgt.s32 s1, $0xFFF;
	p3 =	seq.s32 s22, $0x0;
	v2 =	vld [tilespmem:s14+$0xFFFFFFD0]  }
0x14f: {  	(xrf0) =	vadd.scan.msk.s32 $0xffff, v8;
	p0 =	por !p3, !p2  }
0x150: {  	v3, _, _ =	vpop (xrf0);
	p6 =	por !p0, !p0;
	s15 =	spop (v2sf)  }
0x151: {  	(v2sf) =	vpush v3, $0xF;
	s22 =	simm.s32 @p6 $0x1;
	s14 =	sadd.s32 s15, s1  }
0x152: {  	p4 =	sgt.s32 s14, $0xFFF;
	p5 =	seq.s32 s22, $0x0  }
0x153: {  	p0 =	por !p4, !p5;
	(xrf0) =	vadd.scan.msk.s32 $0xffff, v2  }
0x154: {  	p2 =	por !p0, !p0;
	s17 =	spop (v2sf)  }
0x155: {  	v2, _, _ =	vpop (xrf0);
	s22 =	simm.s32 @p2 $0x1;
	s15 =	sadd.s32 s17, s14  }
0x156: {  	(v2sf) =	vpush v2, $0xF;
	p1 =	sgt.s32 s15, $0xFFF;
	p3 =	seq.s32 s22, $0x0  }
0x157: {  	p0 =	por !p1, !p3  }
0x158: {  	p3 =	por !p0, !p0;
	s20 =	spop (v2sf)  }
0x159: {  	s22 =	simm.s32 @p3 $0x1;
	s2 =	sadd.s32 s20, s15;
	v2, _, _ =	vpop (xrf0)  }
0x15a: {  	p4 =	sgt.s32 s2, $0xFFF;
	p5 =	seq.s32 s22, $0x0;
	(v2sf) =	vpush v2, $0xF  }
0x15b: {  	p0 =	por !p4, !p5  }
0x15c: {  	s17 =	spop (v2sf);
	p4 =	por !p0, !p0  }
0x15d: {  	s17 =	sadd.s32 s2, s17;
	s22 =	simm.s32 @p4 $0x1  }
0x15e: {  	p1 =	sgt.s32 s17, $0xFFF;
	p5 =	seq.s32 s22, $0x0  }
0x15f: {  	s26 =	sld [smem:$0x7FB];
	p0 =	por !p5, !p1  }
0x160: {  	s5 =	simm.s32 @!p6 $0x0;
	p5 =	por !p0, !p0;
	s20 =	spop (v2sf)  }
0x161: {  	s5 =	simm.s32 @p6 $0x1;
	s22 =	simm.s32 @p5 $0x1;
	s20 =	sadd.s32 s20, s17  }
0x162: {  	[smem:$0x7FC] =	sst s5;
	p0 =	sgt.s32 s20, $0xFFF;
	p1 =	seq.s32 s22, $0x0  }
0x163: {  	s5 =	simm.s32 @!p2 $0x0;
	p0 =	por !p0, !p1;
	p1 =	seq.s32 s26, $0x1  }
0x164: {  	s5 =	simm.s32 @p2 $0x1;
	s23 =	smov.u32 @p1 s4  }
0x165: {  	s23 =	smov.u32 @p6 s24;
	p6 =	por !p0, !p0;
	s26 =	spop (v2sf)  }
0x166: {  	s4 =	sadd.s32 $0xFFFFFFFF, s24;
	s22 =	simm.s32 @p6 $0x1;
	s26 =	sadd.s32 s26, s20  }
0x167: {  	s23 =	smov.u32 @p2 s4;
	p1 =	sgt.s32 s26, $0xFFF;
	p2 =	seq.s32 s22, $0x0  }
0x168: {  	s4 =	sadd.s32 $0xFFFFFFFE, s24;
	s24 =	sadd.s32 $0xFFFFFFFF, s21;
	p0 =	por !p1, !p2  }
0x169: {  	s23 =	smov.u32 @p3 s4;
	p0 =	por !p0, !p0;
	s28 =	spop (v2sf)  }
0x16a: {  	s23 =	smov.u32 @p4 s25;
	s22 =	simm.s32 @p0 $0x1;
	s4 =	sadd.s32 s28, s26  }
0x16b: {  	s23 =	smov.u32 @p5 s21;
	p2 =	seq.s32 s22, $0x0;
	p1 =	sgt.s32 s4, $0xFFF  }
0x16c: {  	s23 =	smov.u32 @p6 s24;
	s4 =	sadd.s32 $0xFFFFFFFE, s21;
	p1 =	por !p1, !p2  }
0x16d: {  	s29 =	sld [smem:$0x7FB];
	s23 =	smov.u32 @p0 s4;
	p1 =	por !p1, !p1  }
0x16e: {  	s30 =	sld [smem:$0x7FC];
	s23 =	smov.u32 @p1 s0  }
0x16f: {  	[smem:$0x7FD] =	sst s5;
	s4 =	simm.s32 $0x18040;
	s0 =	sshll.u32 s23, $0x4  }
0x170: {  	s31 =	sld [smem:$0x7FD];
	v8 =	vld [tilespmem:s0+$0x18000];
	[tilespmem:s4+$0xFFFFFFC0] =	vst v0  }
0x171: {  	[tilespmem:s4+$0x30] =	vst v0  }
0x172: {  	p2 =	seq.s32 s29, $0x1;
	[tilespmem:s4+$0x20] =	vst v0  }
0x173: {  	s19 =	smov.u32 @p2 s6;
	p2 =	seq.s32 s30, $0x1;
	[tilespmem:s4+$0x10] =	vst v0  }
0x174: {  	s19 =	smov.u32 @p2 s7;
	p2 =	seq.s32 s31, $0x1;
	[tilespmem:s4+$0x0] =	vst v0  }
0x175: {  	s19 =	smov.u32 @p2 s1;
	[tilespmem:s4+$0xFFFFFFF0] =	vst v0  }
0x176: {  	s19 =	smov.u32 @p3 s14;
	[tilespmem:s4+$0xFFFFFFE0] =	vst v0  }
0x177: {  	s19 =	smov.u32 @p4 s15;
	v40 =	vld [tilespmem:$0x1FFC0]  }
0x178: {  	v38 =	vld [tilespmem:$0x1FFE0];
	s19 =	smov.u32 @p5 s2  }
0x179: {  	v39 =	vld [tilespmem:$0x1FFD0];
	s19 =	smov.u32 @p6 s17  }
0x17a: {  	s19 =	smov.u32 @p0 s20  }
0x17b: {  	s1 =	simm.s32 $0x0;
	s19 =	smov.u32 @p1 s26  }
.LBB2_9:
0x17c: {  	s1 =	sadd.s32 $0x8, s1;
	[tilespmem:s4+$0xFFFFFFD0] =	vst v0;
	s4 =	sadd.s32 $0x80, s4  }
0x17d: {  	[tilespmem:s4+$0xFFFFFFC0] =	vst v0;
	p0 =	slt.u32 s1, $0x38  }
0x17e: {  	[tilespmem:s4+$0x30] =	vst v0  }
.Ltmp7:
0x17f: {  	[tilespmem:s4+$0x20] =	vst v0;
	(pc) =	sbr.rel @p0 .LBB2_9-.Ltmp7, $4  }
0x180: {  	[tilespmem:s4+$0x10] =	vst v0  }
0x181: {  	[tilespmem:s4+$0x0] =	vst v0  }
0x182: {  	[tilespmem:s4+$0xFFFFFFF0] =	vst v0  }
0x183: {  	[tilespmem:s4+$0xFFFFFFE0] =	vst v0  }
0x184: {  	(xrf0) =	vadd.scan.msk.s32 $0xffff, v8;
	_ =	sdelay $0x5  }
0x185: {  	v9, _, _ =	vpop (xrf0)  }
0x186: {  	(v2sf) =	vpush v9, $0xF;
	_ =	sdelay $0xe  }
0x187: {  	s1 =	spop (v2sf)  }
0x188: {  	v2 =	vsub.s32 v8, v9;
	s24 =	sadd.s32 s19, s1  }
0x189: {  	v2 =	vadd.s32 s24, v2  }
0x18a: {  	vm1 =	vgt.s32 v2, $0xFFF  }
0x18b: {  	v2 =	vsel vm1, $0x1, v0  }
0x18c: {  	(xrf0) =	vadd.scan.msk.s32 $0xffff, v2;
	_ =	sdelay $0x5  }
0x18d: {  	v2, _, _ =	vpop (xrf0)  }
0x18e: {  	(v2sf) =	vpush v2, $0xF;
	_ =	sdelay $0x8  }
0x18f: {  	[tilespmem:s4+$0xFFFFFFD0] =	vst v0  }
0x190: {  	s20 =	simm.s32 $0x10040;
	[tilespmem:$0x18400] =	vst v0  }
0x191: {  	v3 =	vld [tilespmem:s20+$0x20]  }
0x192: {  	v5 =	vld [tilespmem:s20+$0x10]  }
0x193: {  	v7 =	vld [tilespmem:s20+$0xFFFFFFC0]  }
0x194: {  	v10 =	vld [tilespmem:s20+$0xFFFFFFD0]  }
0x195: {  	v6 =	vld [tilespmem:s20+$0x0];
	s2 =	spop (v2sf)  }
0x196: {  	s22 =	simm.s32 $0x0;
	v11 =	vld [tilespmem:s20+$0xFFFFFFE0];
	s19 =	sadd.s32 $0xFFFFFFFF, s2  }
0x197: {  	s25 =	simm.s32 $0x10;
	v19 =	vor.u32 s22, v1;
	v12 =	vld [tilespmem:s20+$0xFFFFFFF0];
	s23 =	sadd.s32 s0, s19  }
0x198: {  	v13 =	vor.u32 s25, v1;
	v7 =	vshrl.u32 v7, $0x14;
	v8 =	vmov s23  }
0x199: {  	v5 =	vshrl.u32 v5, $0x14;
	v2 =	vld [tilespmem:s20+$0x30];
	vm12 =	vge.s32 v7, v8;
	v7 =	vshrl.u32 v10, $0x14  }
0x19a: {  	v3 =	vshrl.u32 v3, $0x14;
	v10 =	vmpcnt.ones.xlane vm12;
	vm1 =	vge.s32 v7, v8  }
0x19b: {  	v6 =	vshrl.u32 v6, $0x14;
	v7 =	vshrl.u32 v11, $0x14;
	v11 =	vmpcnt.ones.xlane vm1  }
0x19c: {  	vm7 =	vge.s32 v7, v8;
	v7 =	vshrl.u32 v12, $0x14;
	(v2sf) =	vpush v10, $0x0  }
0x19d: {  	s21 =	simm.s32 $0x100C0;
	v12 =	vmpcnt.ones.xlane vm7;
	vm6 =	vge.s32 v7, v8;
	(v2sf) =	vpush v11, $0x0  }
0x19e: {  	v17 =	vld [tilespmem:s21+$0x0];
	v2 =	vshrl.u32 v2, $0x14;
	vm2 =	vge.s32 v6, v8;
	v7 =	vmpcnt.ones.xlane vm6  }
0x19f: {  	v6 =	vld [tilespmem:s21+$0x30];
	vm3 =	vge.s32 v5, v8;
	v10 =	vmpcnt.ones.xlane vm2;
	(v2sf) =	vpush v12, $0x0  }
0x1a0: {  	v5 =	vld [tilespmem:s21+$0x20];
	vm8 =	vge.s32 v3, v8;
	v11 =	vmpcnt.ones.xlane vm3;
	(v2sf) =	vpush v7, $0x0  }
0x1a1: {  	v3 =	vld [tilespmem:s21+$0x10];
	vm9 =	vge.s32 v2, v8;
	v7 =	vmpcnt.ones.xlane vm8;
	(v2sf) =	vpush v10, $0x0  }
0x1a2: {  	v2 =	vmpcnt.ones.xlane vm9;
	vm4 =	vmmov vm2;
	v10 =	vld [tilespmem:s21+$0xFFFFFFC0];
	(v2sf) =	vpush v11, $0x0  }
0x1a3: {  	vm5 =	vmmov vm1;
	vm1 =	vmmov vm9;
	(v2sf) =	vpush v7, $0x0;
	v7 =	vld [tilespmem:s21+$0xFFFFFFD0]  }
0x1a4: {  	vm2 =	vmmov vm8;
	vm9 =	vmmov vm7;
	(v2sf) =	vpush v2, $0x0;
	v2 =	vld [tilespmem:s21+$0xFFFFFFE0]  }
0x1a5: {  	s28 =	simm.s32 $0x30;
	v18 =	vld [tilespmem:s21+$0xFFFFFFF0];
	vm3 =	vmmov vm3;
	vm10 =	vmmov vm6;
	v14 =	vshrl.u32 v6, $0x14  }
0x1a6: {  	s30 =	simm.s32 $0x0;
	v12 =	vor.u32 s28, v1;
	v15 =	vshrl.u32 v5, $0x14;
	v5 =	vshrl.u32 v17, $0x14  }
0x1a7: {  	s26 =	simm.s32 $0x20;
	[tilespmem:s30+$0x19080] =	vst.msk vm12, v19;
	v16 =	vshrl.u32 v3, $0x14;
	vm12 =	vge.s32 v5, v8;
	v6 =	vshrl.u32 v10, $0x14  }
0x1a8: {  	v11 =	vor.u32 s26, v1;
	vm6 =	vge.s32 v6, v8;
	v3 =	vshrl.u32 v7, $0x14  }
0x1a9: {  	vm11 =	vge.s32 v3, v8;
	v3 =	vmpcnt.ones.xlane vm6;
	v2 =	vshrl.u32 v2, $0x14  }
0x1aa: {  	s29 =	simm.s32 $0x40;
	s6 =	simm.s32 $0x8;
	v6 =	vshrl.u32 v18, $0x14;
	vm8 =	vge.s32 v2, v8;
	v2 =	vmpcnt.ones.xlane vm11  }
0x1ab: {  	s7 =	simm.s32 $0x10140;
	s4 =	simm.s32 $0x70;
	vm7 =	vge.s32 v6, v8;
	(v2sf) =	vpush v3, $0x0;
	v18 =	vmpcnt.ones.xlane vm8;
	s31 =	spop (v2sf)  }
0x1ac: {  	s0 =	simm.s32 $0x70;
	v10 =	vor.u32 s29, v1;
	v17 =	vmpcnt.ones.xlane vm7;
	(v2sf) =	vpush v2, $0x0;
	s1 =	sadd.s32 $0x0, s31;
	s14 =	spop (v2sf)  }
.LBB2_11:
0x1ad: {  	v3 =	vmpcnt.ones.xlane vm12;
	vm13 =	vge.s32 v16, v8;
	(v2sf) =	vpush v18, $0x0  }
0x1ae: {  	v2 =	vld [tilespmem:s7+$0x30];
	[tilespmem:s1+$0x19080] =	vst.msk vm5, v13;
	s1 =	sadd.s32 s1, s14;
	s0 =	sadd.s32 $0x80, s0;
	s2 =	spop (v2sf);
	vm5 =	vmmov vm11;
	vm14 =	vmmov vm4;
	vm4 =	vmmov vm12  }
0x1af: {  	vm11 =	vge.s32 v15, v8;
	v5 =	vld [tilespmem:s7+$0x20];
	s14 =	sadd.s32 $0xFFFFFF90, s0;
	v6 =	vmpcnt.ones.xlane vm13;
	(v2sf) =	vpush v17, $0x0;
	[tilespmem:s1+$0x19080] =	vst.msk vm9, v11;
	s1 =	sadd.s32 s1, s2;
	s2 =	spop (v2sf)  }
0x1b0: {  	v11 =	vmpcnt.ones.xlane vm11;
	vm9 =	vge.s32 v14, v8;
	v7 =	vld [tilespmem:s7+$0x10];
	(v2sf) =	vpush v3, $0x0;
	[tilespmem:s1+$0x19080] =	vst.msk vm10, v12;
	s1 =	sadd.s32 s1, s2;
	s2 =	sadd.s32 $0xFFFFFFE0, s4;
	s15 =	spop (v2sf)  }
0x1b1: {  	v12 =	vmpcnt.ones.xlane vm9;
	v3 =	vld [tilespmem:s7+$0x0];
	(v2sf) =	vpush v6, $0x0;
	[tilespmem:s1+$0x19080] =	vst.msk vm14, v10;
	s1 =	sadd.s32 s1, s15;
	v6 =	vor.u32 s2, v1;
	s2 =	sadd.s32 $0xFFFFFFF0, s4;
	s15 =	spop (v2sf)  }
0x1b2: {  	s6 =	sadd.s32 $0x8, s6;
	v15 =	vld [tilespmem:s7+$0xFFFFFFC0];
	(v2sf) =	vpush v11, $0x0;
	[tilespmem:s1+$0x19080] =	vst.msk vm3, v6;
	s1 =	sadd.s32 s1, s15;
	v6 =	vor.u32 s2, v1;
	s2 =	spop (v2sf);
	vm3 =	vmmov vm13  }
0x1b3: {  	p0 =	slt.u32 s6, $0x7F8;
	v17 =	vld [tilespmem:s7+$0xFFFFFFD0];
	(v2sf) =	vpush v12, $0x0;
	[tilespmem:s1+$0x19080] =	vst.msk vm2, v6;
	s1 =	sadd.s32 s1, s2;
	v6 =	vor.u32 s4, v1;
	s2 =	spop (v2sf);
	vm2 =	vmmov vm11  }
0x1b4: {  	v10 =	vor.u32 s14, v1;
	s14 =	sadd.s32 $0xFFFFFFB0, s0;
	s4 =	sadd.s32 $0xFFFFFFA0, s0;
	v18 =	vld [tilespmem:s7+$0xFFFFFFE0];
	[tilespmem:s1+$0x19080] =	vst.msk vm1, v6;
	s1 =	sadd.s32 s1, s2;
	vm1 =	vmmov vm9;
	vm9 =	vmmov vm8  }
0x1b5: {  	vm10 =	vmmov vm7;
	v11 =	vor.u32 s14, v1;
	s14 =	sadd.s32 $0xFFFFFFD0, s0;
	v13 =	vor.u32 s4, v1;
	s2 =	sadd.s32 $0xFFFFFFC0, s0;
	s4 =	smov.u32 s0;
	v6 =	vld [tilespmem:s7+$0xFFFFFFF0];
	[tilespmem:s1+$0x19080] =	vst.msk vm6, v10  }
0x1b6: {  	v14 =	vshrl.u32 v2, $0x14;
	v12 =	vor.u32 s2, v1;
	v10 =	vor.u32 s14, v1  }
0x1b7: {  	v16 =	vshrl.u32 v7, $0x14;
	v2 =	vshrl.u32 v15, $0x14;
	v15 =	vshrl.u32 v5, $0x14  }
.Ltmp8:
0x1b8: {  	v3 =	vshrl.u32 v3, $0x14;
	vm6 =	vge.s32 v2, v8;
	v2 =	vshrl.u32 v17, $0x14;
	(pc) =	sbr.rel @p0 .LBB2_11-.Ltmp8, $4  }
0x1b9: {  	v5 =	vmpcnt.ones.xlane vm6;
	vm11 =	vge.s32 v2, v8;
	v2 =	vshrl.u32 v18, $0x14  }
0x1ba: {  	v7 =	vmpcnt.ones.xlane vm11;
	vm8 =	vge.s32 v2, v8;
	v2 =	vshrl.u32 v6, $0x14  }
0x1bb: {  	v18 =	vmpcnt.ones.xlane vm8;
	vm7 =	vge.s32 v2, v8;
	(v2sf) =	vpush v5, $0x0;
	s2 =	spop (v2sf)  }
0x1bc: {  	s7 =	sadd.s32 $0x80, s7;
	vm12 =	vge.s32 v3, v8;
	v17 =	vmpcnt.ones.xlane vm7;
	(v2sf) =	vpush v7, $0x0;
	s1 =	sadd.s32 s1, s2;
	s14 =	spop (v2sf)  }
0x1bd: {  	v2 =	vmpcnt.ones.xlane vm12;
	vm15 =	vge.s32 v16, v8;
	(v2sf) =	vpush v18, $0x0  }
0x1be: {  	vm13 =	vge.s32 v15, v8;
	v3 =	vmpcnt.ones.xlane vm15;
	(v2sf) =	vpush v17, $0x0  }
0x1bf: {  	vm14 =	vge.s32 v14, v8;
	v5 =	vmpcnt.ones.xlane vm13;
	(v2sf) =	vpush v2, $0x0  }
0x1c0: {  	v6 =	vmpcnt.ones.xlane vm14;
	(v2sf) =	vpush v3, $0x0  }
0x1c1: {  	(v2sf) =	vpush v5, $0x0  }
0x1c2: {  	v2 =	vmov s19;
	(v2sf) =	vpush v6, $0x0  }
0x1c3: {  	vm0 =	veq.s32 v2, v1  }
0x1c4: {  	s2 =	spop (v2sf);
	s6 =	sadd.s32 s1, s14;
	v2 =	vnsel vm0, $0x0, v9  }
0x1c5: {  	s7 =	spop (v2sf);
	s2 =	sadd.s32 s6, s2;
	(xrf0) =	vadd.scan.msk.s32 $0xffff, v2  }
0x1c6: {  	s20 =	spop (v2sf);
	s7 =	sadd.s32 s2, s7  }
0x1c7: {  	s15 =	spop (v2sf);
	s14 =	sadd.s32 s7, s20  }
0x1c8: {  	s15 =	sadd.s32 s14, s15;
	s17 =	spop (v2sf)  }
0x1c9: {  	s21 =	spop (v2sf);
	s17 =	sadd.s32 s15, s17  }
0x1ca: {  	[tilespmem:s1+$0x19080] =	vst.msk vm5, v13;
	s1 =	sadd.s32 s17, s21;
	s22 =	spop (v2sf)  }
0x1cb: {  	[tilespmem:s6+$0x19080] =	vst.msk vm9, v11;
	v2, _, _ =	vpop (xrf0);
	s6 =	sadd.s32 s1, s22;
	s26 =	spop (v2sf)  }
0x1cc: {  	(v2sf) =	vpush v2, $0xF;
	s29 =	sadd.s32 s6, s26;
	s8 =	spop (v2sf)  }
0x1cd: {  	s25 =	sadd.s32 $0xFFFFFFE0, s4;
	[tilespmem:s2+$0x19080] =	vst.msk vm10, v12;
	s2 =	sadd.s32 s29, s8;
	s9 =	spop (v2sf)  }
0x1ce: {  	s0 =	sadd.s32 $0x80, s0;
	v2 =	vor.u32 s25, v1;
	s20 =	sadd.s32 s2, s9;
	s30 =	spop (v2sf)  }
0x1cf: {  	vm4 =	vmmov vm4;
	s19 =	sadd.s32 $0xFFFFFF90, s0;
	[tilespmem:s14+$0x19080] =	vst.msk vm3, v2;
	s14 =	sadd.s32 s20, s30;
	s5 =	spop (v2sf)  }
0x1d0: {  	s28 =	sadd.s32 $0xFFFFFFF0, s4;
	[tilespmem:s7+$0x19080] =	vst.msk vm4, v10;
	v3 =	vor.u32 s19, v1;
	s9 =	sadd.s32 s14, s5;
	s22 =	spop (v2sf)  }
0x1d1: {  	[tilespmem:s1+$0x19080] =	vst.msk vm6, v3;
	v2 =	vor.u32 s28, v1;
	s8 =	sadd.s32 $0xFFFFFFB0, s0;
	s26 =	sadd.s32 s9, s22;
	s28 =	spop (v2sf)  }
0x1d2: {  	vm9 =	vmmov vm8;
	[tilespmem:s15+$0x19080] =	vst.msk vm2, v2;
	v3 =	vor.u32 s8, v1;
	s21 =	sadd.s32 s26, s28  }
0x1d3: {  	vm10 =	vmmov vm12;
	v2 =	vor.u32 s4, v1;
	[tilespmem:s29+$0x19080] =	vst.msk vm9, v3;
	s29 =	sadd.s32 $0xFFFFFFD0, s0;
	s22 =	sadd.s32 $0xF, s21  }
0x1d4: {  	s31 =	sadd.s32 $0xFFFFFFA0, s0;
	vm0 =	vmmov vm10;
	[tilespmem:s17+$0x19080] =	vst.msk vm1, v2;
	v3 =	vor.u32 s29, v1;
	s19 =	sshrl.u32 s22, $0x4  }
0x1d5: {  	vm5 =	vmmov vm11;
	s25 =	sadd.s32 $0xFFFFFFC0, s0;
	v2 =	vor.u32 s31, v1;
	[tilespmem:s20+$0x19080] =	vst.msk vm0, v3;
	s20 =	sand.u32 $0xFFFFFFE, s19  }
0x1d6: {  	vm11 =	vmmov vm7;
	[tilespmem:s6+$0x19080] =	vst.msk vm5, v2;
	v2 =	vor.u32 s25, v1;
	s30 =	sadd.s32 $0xFFFFFFE0, s0;
	p0 =	seq.s32 s20, $0x0  }
.Ltmp9:
0x1d7: {  	vm12 =	vmmov vm15;
	s31 =	sadd.s32 $0xFFFFFFF0, s0;
	[tilespmem:s2+$0x19080] =	vst.msk vm11, v2;
	v2 =	vor.u32 s30, v1;
	(pc) =	sbr.rel @p0 .LBB2_15-.Ltmp9, $4  }
0x1d8: {  	vm13 =	vmmov vm13;
	[tilespmem:s14+$0x19080] =	vst.msk vm12, v2;
	v2 =	vor.u32 s31, v1  }
0x1d9: {  	vm15 =	vmmov vm14;
	[tilespmem:s9+$0x19080] =	vst.msk vm13, v2;
	v2 =	vor.u32 s0, v1;
	s0 =	simm.s32 @!p0 $0x0  }
0x1da: {  	[tilespmem:s26+$0x19080] =	vst.msk vm15, v2;
	s0 =	simm.s32 @p0 $0x1  }
0x1db: {  	s25 =	spop (v2sf);
	[smem:$0x7FA] =	sst s0  }
0x1dc: {  	s0 =	simm.s32 $0x19090  }
0x1dd: {  	s1 =	simm.s32 $0x10;
	v2 =	vld [tilespmem:s0+$0x0]  }
0x1de: {  	v12 =	vmov s21;
	v3 =	vor.u32 s1, v1  }
0x1df: {  	vm0 =	vlt.s32 v3, v12  }
0x1e0: {  	p0 =	sgt.u32 s20, $0x2  }
.Ltmp10:
0x1e1: {  	_ = 	snop;
	(pc) =	sbr.rel @!p0 .LBB2_14-.Ltmp10, $4  }
0x1e2: {  	_ = 	snop  }
0x1e3: {  	s31 =	simm.s32 $0x0  }
0x1e4: {  	p1 =	por $0x0, $0x0;
	v9 =	vld [tilespmem:s0+$0xFFFFFFF0];
	v3 =	vor.u32 s31, v1  }
0x1e5: {  	p2 =	por $0x0, $0x0;
	p3 =	por $0x0, $0x0;
	s0 =	simm.s32 $0x190B0;
	vm5 =	vlt.s32 v3, v12;
	vm1 =	vmmov vm0;
	v10 =	vld.idx.msk [tilespmem:v2+s16+$0x0], vm0  }
0x1e6: {  	v2 =	vld [tilespmem:s0+$0x0];
	s1 =	simm.s32 $0x30  }
0x1e7: {  	v3 =	vor.u32 s1, v1  }
0x1e8: {  	vm0 =	vlt.s32 v3, v12  }
0x1e9: {  	p0 =	sgt.u32 s20, $0x4  }
.Ltmp11:
0x1ea: {  	_ = 	snop;
	(pc) =	sbr.rel @!p0 .LBB2_27-.Ltmp11, $4  }
0x1eb: {  	s31 =	simm.s32 $0x20;
	v3 =	vshrl.u32 v10, $0x14  }
0x1ec: {  	v16 =	vld [tilespmem:s0+$0xFFFFFFF0];
	v5 =	vor.u32 s31, v1;
	vm3 =	veq.s32 v3, v8;
	v3 =	vshrl.u32 v10, $0xA  }
0x1ed: {  	vm2 =	vlt.s32 v5, v12;
	v14 =	vld.idx.msk [tilespmem:v9+s16+$0x0], vm5;
	vm4 =	vmand vm1, vm3;
	v3 =	vand.u32 $0x3FF, v3  }
0x1ee: {  	s0 =	simm.s32 $0x190D0;
	p1 =	por $0x1, $0x1;
	vm3 =	vmmov vm5;
	vm1 =	vmmov vm0;
	v9 =	vnsel vm4, $0x1000, v3;
	v10 =	vld.idx.msk [tilespmem:v2+s16+$0x0], vm0  }
0x1ef: {  	_ = 	snop  }
0x1f0: {  	s1 =	simm.s32 $0x50  }
0x1f1: {  	v3 =	vor.u32 s1, v1  }
0x1f2: {  	vm0 =	vlt.s32 v3, v12;
	v3 =	vshrl.u32 v14, $0x14  }
0x1f3: {  	v5 =	vshrl.u32 v14, $0xA;
	vm4 =	veq.s32 v3, v8  }
0x1f4: {  	v3 =	vand.u32 $0x3FF, v5;
	vm3 =	vmand vm3, vm4  }
0x1f5: {  	(xrf1) =	vunique.msk.u32 $0xffff, v9;
	v11 =	vnsel vm3, $0x1000, v3  }
0x1f6: {  	(xrf1) =	vunique.msk.u32 $0xffff, v11;
	_ =	sdelay $0x4  }
0x1f7: {  	v2 =	vld [tilespmem:s0+$0x0];
	_ =	sdelay $0x2  }
0x1f8: {  	p0 =	sgt.u32 s20, $0x6  }
.Ltmp12:
0x1f9: {  	_ = 	snop;
	(pc) =	sbr.rel @!p0 .LBB2_29-.Ltmp12, $4  }
0x1fa: {  	s31 =	simm.s32 $0x40;
	v6 =	vshrl.u32 v10, $0x14  }
0x1fb: {  	v18 =	vld [tilespmem:s0+$0xFFFFFFF0];
	v5 =	vor.u32 s31, v1;
	vm3 =	veq.s32 v6, v8;
	v3 =	vshrl.u32 v10, $0xA  }
0x1fc: {  	v14 =	vld.idx.msk [tilespmem:v16+s16+$0x0], vm2;
	vm5 =	vlt.s32 v5, v12;
	vm4 =	vmand vm1, vm3;
	v3 =	vand.u32 $0x3FF, v3  }
0x1fd: {  	p2 =	por $0x1, $0x1;
	s1 =	simm.s32 $0x190F0;
	vm3 =	vmmov vm2;
	vm1 =	vmmov vm0;
	v10 =	vld.idx.msk [tilespmem:v2+s16+$0x0], vm0;
	v13 =	vnsel vm4, $0x1000, v3  }
0x1fe: {  	_ = 	snop  }
0x1ff: {  	s0 =	simm.s32 $0x70  }
0x200: {  	v3 =	vor.u32 s0, v1  }
0x201: {  	vm0 =	vlt.s32 v3, v12;
	v3 =	vshrl.u32 v14, $0x14  }
0x202: {  	v2 =	vld [tilespmem:s1+$0x0];
	(xrf1) =	vunique.msk.u32 $0xffff, v13;
	v5 =	vshrl.u32 v14, $0xA;
	vm2 =	veq.s32 v3, v8  }
0x203: {  	v3 =	vand.u32 $0x3FF, v5;
	vm3 =	vmand vm3, vm2  }
0x204: {  	v20 =	vnsel vm3, $0x1000, v3  }
0x205: {  	v16 =	vld [tilespmem:s1+$0xFFFFFFF0];
	p0 =	sgt.u32 s20, $0x8;
	v6 =	vshrl.u32 v10, $0x14;
	(xrf1) =	vunique.msk.u32 $0xffff, v20  }
.Ltmp13:
0x206: {  	s2 =	simm.s32 $0x60;
	v14 =	vld.idx.msk [tilespmem:v18+s16+$0x0], vm5;
	vm4 =	veq.s32 v6, v8;
	(pc) =	sbr.rel @!p0 .LBB2_31-.Ltmp13, $4  }
0x207: {  	v5 =	vor.u32 s2, v1;
	vm6 =	vmand vm1, vm4;
	_, v15, vm4 =	vpop (xrf1)  }
0x208: {  	v17 =	vmov v9;
	vm2 =	vlt.s32 v5, v12;
	v5 =	vshrl.u32 v10, $0xA  }
0x209: {  	v3 =	vand.u32 $0x3FF, v5  }
0x20a: {  	s1 =	simm.s32 $0x8;
	s4 =	simm.s32 $0x19110;
	p3 =	por $0x1, $0x1;
	v18 =	vmovc v11;
	vm3 =	vmmov vm5;
	vm1 =	vmmov vm0;
	v19 =	vnsel vm6, $0x1000, v3;
	v10 =	vld.idx.msk [tilespmem:v2+s16+$0x0], vm0  }
.LBB2_32:
0x20b: {  	v2 =	vld [tilespmem:s4+$0x0];
	s1 =	sadd.s32 $0x2, s1;
	s0 =	sadd.s32 $0x20, s0;
	v3 =	vshrl.u32 v14, $0x14;
	v5 =	vshrl.u32 v14, $0xA;
	(xrf1) =	vunique.msk.u32 $0xffff, v19;
	_, v6, vm0 =	vpop (xrf1)  }
0x20c: {  	s2 =	sadd.s32 $0xFFFFFFF0, s0;
	v7 =	vld [tilespmem:s4+$0xFFFFFFF0];
	v14 =	vor.u32 s0, v1;
	p0 =	slt.u32 s1, s20;
	vm5 =	veq.s32 v3, v8;
	v3 =	vand.u32 $0x3FF, v5  }
0x20d: {  	v5 =	vor.u32 s2, v1;
	vm6 =	vlt.s32 v14, v12;
	vm3 =	vmand vm3, vm5;
	[tilespmem:v17+s13+$0x0] =	vst.idx.add.s32.msk vm4, v15;
	v17 =	vmovc v13  }
0x20e: {  	v13 =	vmovc v19;
	v14 =	vld.idx.msk [tilespmem:v16+s16+$0x0], vm2;
	v3 =	vnsel vm3, $0x1000, v3;
	vm3 =	vmmov vm2;
	vm2 =	vlt.s32 v5, v12  }
.Ltmp14:
0x20f: {  	(xrf1) =	vunique.msk.u32 $0xffff, v3;
	(pc) =	sbr.rel @p0 .LBB2_32-.Ltmp14, $4  }
0x210: {  	v5 =	vshrl.u32 v10, $0x14;
	_, v15, vm4 =	vpop (xrf1)  }
0x211: {  	vm5 =	veq.s32 v5, v8;
	v5 =	vshrl.u32 v10, $0xA;
	[tilespmem:v18+s13+$0x0] =	vst.idx.add.s32.msk vm0, v6;
	v16 =	vmovc v7;
	v18 =	vmov v20  }
0x212: {  	vm0 =	vmand vm1, vm5;
	v5 =	vand.u32 $0x3FF, v5;
	v20 =	vmovc v3;
	vm1 =	vmmov vm6  }
0x213: {  	s4 =	sadd.s32 $0x20, s4;
	v19 =	vnsel vm0, $0x1000, v5;
	v10 =	vld.idx.msk [tilespmem:v2+s16+$0x0], vm6  }
0x214: {  	_ = 	snop  }
.LBB2_34:
0x215: {  	_ =	sdelay $0x4  }
0x216: {  	v2 =	vld.idx.msk [tilespmem:v16+s16+$0x0], vm2  }
0x217: {  	v3 =	vshrl.u32 @p1 v14, $0x14  }
0x218: {  	v5 =	vshrl.u32 @p1 v14, $0xA;
	vm0 =	veq.s32 @p1 v3, v8  }
0x219: {  	v3 =	vand.u32 @p1 $0x3FF, v5;
	vm0 =	vmand @p1 vm3, vm0;
	v5 =	vshrl.u32 v10, $0x14  }
0x21a: {  	vm12 =	vmmov vm2;
	v3 =	vnsel @p1 vm0, $0x1000, v3;
	vm13 =	veq.s32 v5, v8  }
0x21b: {  	(xrf1) =	vunique.msk.u32 @p1 $0xffff, v19;
	v5 =	vshrl.u32 v10, $0xA;
	vm1 =	vmand vm1, vm13;
	v6 =	vshrl.u32 v2, $0x14  }
0x21c: {  	v5 =	vand.u32 $0x3FF, v5;
	v2 =	vshrl.u32 v2, $0xA;
	vm14 =	veq.s32 v6, v8  }
0x21d: {  	(xrf1) =	vunique.msk.u32 @p1 $0xffff, v3;
	v5 =	vnsel vm1, $0x1000, v5;
	v2 =	vand.u32 $0x3FF, v2;
	vm0 =	vmand vm12, vm14  }
0x21e: {  	(xrf1) =	vunique.msk.u32 $0xffff, v5;
	v2 =	vnsel vm0, $0x1000, v2  }
0x21f: {  	(xrf1) =	vunique.msk.u32 $0xffff, v2;
	_ =	sdelay $0x5  }
0x220: {  	v12 =	vmov @p2 v13;
	v13 =	vmov @p1 v19  }
0x221: {  	_, v6, vm0 =	vpop @p3 (xrf1)  }
0x222: {  	_, v7, vm1 =	vpop @p2 (xrf1)  }
0x223: {  	_, v10, vm2 =	vpop @p2 (xrf1);
	vm1 =	vmmov @p2 vm1  }
0x224: {  	v14 =	vmov @p2 v20;
	v12 =	vpsel p2, v12, v0;
	v9 =	vpsel p1, v13, v9;
	_, v13, vm3 =	vpop @p1 (xrf1)  }
0x225: {  	v14 =	vpsel p2, v14, v0;
	vm3 =	vmmov @p1 vm3  }
0x226: {  	v9 =	vpsel p1, v9, v0;
	v3 =	vpsel p1, v3, v11;
	_, v11, vm5 =	vpop @p1 (xrf1)  }
0x227: {  	[tilespmem:v17+s13+$0x0] =	vst.idx.add.s32.msk @p3 vm4, v15;
	v3 =	vpsel p1, v3, v0;
	_, v15, vm4 =	vpop (xrf1)  }
0x228: {  	[tilespmem:v18+s13+$0x0] =	vst.idx.add.s32.msk @p3 vm0, v6;
	v6 =	vpsel p2, v7, v0;
	_, v7, vm15 =	vpop (xrf1)  }
0x229: {  	[tilespmem:v12+s13+$0x0] =	vst.idx.add.s32.msk @p2 vm1, v6  }
0x22a: {  	[tilespmem:v14+s13+$0x0] =	vst.idx.add.s32.msk @p2 vm2, v10;
	v6 =	vpsel p1, v13, v0  }
0x22b: {  	[tilespmem:v9+s13+$0x0] =	vst.idx.add.s32.msk @p1 vm3, v6  }
0x22c: {  	[tilespmem:v3+s13+$0x0] =	vst.idx.add.s32.msk @p1 vm5, v11  }
0x22d: {  	[tilespmem:v5+s13+$0x0] =	vst.idx.add.s32.msk vm4, v15  }
0x22e: {  	[tilespmem:v2+s13+$0x0] =	vst.idx.add.s32.msk vm15, v7  }
.LBB2_15:
0x22f: {  	p0 =	sne.s32 s20, s19  }
.Ltmp15:
0x230: {  	_ = 	snop;
	(pc) =	sbr.rel @!p0 .LBB2_16-.Ltmp15, $1  }
0x231: {  	_ =	sdelay $0x3  }
0x232: {  	s0 =	sshll.u32 s22, $0x2  }
0x233: {  	s0 =	sshra.s32 s0, $0x2  }
0x234: {  	s0 =	sand.u32 $0xFFFFFFE0, s0  }
0x235: {  	v9 =	vmov s21;
	s1 =	sand.u32 $0xFFFFFFE0, s22;
	s4 =	smov.u32 s20;
	s0 =	sadd.s32 $0x19080, s0  }
.LBB2_36:
0x236: {  	v2 =	vld [tilespmem:s0+$0x0]  }
0x237: {  	v3 =	vor.u32 s1, v1  }
0x238: {  	vm0 =	vlt.s32 v3, v9;
	_ =	sdelay $0x5  }
0x239: {  	v2 =	vld.idx.msk [tilespmem:v2+s16+$0x0], vm0;
	_ =	sdelay $0x4  }
0x23a: {  	v3 =	vshrl.u32 v2, $0x14  }
0x23b: {  	v2 =	vshrl.u32 v2, $0xA;
	vm1 =	veq.s32 v3, v8  }
0x23c: {  	v2 =	vand.u32 $0x3FF, v2;
	vm0 =	vmand vm0, vm1  }
0x23d: {  	v2 =	vnsel vm0, $0x1000, v2  }
0x23e: {  	(xrf1) =	vunique.msk.u32 $0xffff, v2;
	_ =	sdelay $0xd  }
0x23f: {  	s4 =	sadd.s32 $0x1, s4;
	_, v3, vm15 =	vpop (xrf1)  }
0x240: {  	p0 =	slt.u32 s4, s19  }
.Ltmp16:
0x241: {  	_ = 	snop;
	(pc) =	sbr.rel @p0 .LBB2_36-.Ltmp16, $2  }
0x242: {  	_ =	sdelay $0x2  }
0x243: {  	s0 =	sadd.s32 $0x10, s0;
	s1 =	sadd.s32 $0x10, s1;
	[tilespmem:v2+s13+$0x0] =	vst.idx.add.s32.msk vm15, v3  }
.LBB2_16:
0x244: {  	s0 =	simm.s32 $0x183F0  }
0x245: {  	v2 =	vld [tilespmem:s0+$0x0];
	_ =	sdelay $0x4  }
0x246: {  	(xrf0) =	vadd.scan.msk.s32 $0xffff, v2  }
0x247: {  	v3 =	vld [tilespmem:s0+$0xFFFFFFF0]  }
0x248: {  	v2 =	vld [tilespmem:s0+$0xFFFFFFE0];
	_ =	sdelay $0x3  }
0x249: {  	(xrf0) =	vadd.scan.msk.s32 $0xffff, v3;
	v3, _, _ =	vpop (xrf0)  }
0x24a: {  	s2 =	simm.s32 $0x183B0;
	(xrf0) =	vadd.scan.msk.s32 $0xffff, v2;
	(v2sf) =	vpush v3, $0xF;
	v3 =	vld [tilespmem:s0+$0xFFFFFFD0]  }
0x24b: {  	v2 =	vld [tilespmem:s2+$0x0];
	_ =	sdelay $0x3  }
0x24c: {  	v5, _, _ =	vpop (xrf0);
	(xrf0) =	vadd.scan.msk.s32 $0xffff, v3  }
0x24d: {  	v3, _, _ =	vpop (xrf0);
	(xrf0) =	vadd.scan.msk.s32 $0xffff, v2;
	_ =	sdelay $0x1  }
0x24e: {  	(v2sf) =	vpush v5, $0xF;
	_ =	sdelay $0x1  }
0x24f: {  	(v2sf) =	vpush v3, $0xF  }
0x250: {  	v2, _, _ =	vpop (xrf0)  }
0x251: {  	(v2sf) =	vpush v2, $0xF;
	v2, _, _ =	vpop (xrf0)  }
0x252: {  	(v2sf) =	vpush v2, $0xF;
	v2 =	vld [tilespmem:s2+$0xFFFFFFF0];
	_ =	sdelay $0x3  }
0x253: {  	v3 =	vld [tilespmem:s2+$0xFFFFFFE0]  }
0x254: {  	s24 =	ssub.s32 s25, s24;
	(xrf0) =	vadd.scan.msk.s32 $0xffff, v2  }
0x255: {  	s25 =	simm.s32 $0x0;
	s1 =	simm.s32 $0x3F;
	s7 =	spop (v2sf)  }
0x256: {  	s14 =	simm.s32 $0x3C;
	s26 =	sadd.s32 $0x1000, s24;
	s7 =	sadd.s32 $0x0, s7  }
0x257: {  	s31 =	simm.s32 $0x3B;
	p1 =	por $0x1, $0x1;
	v5 =	vld [tilespmem:s2+$0xFFFFFFD0];
	p0 =	sge.s32 s7, s26  }
0x258: {  	s15 =	simm.s32 $0x18370;
	s30 =	simm.s32 $0x0;
	p0 =	por !p1, !p0;
	(xrf0) =	vadd.scan.msk.s32 $0xffff, v3  }
0x259: {  	s29 =	simm.s32 $0x37;
	v6 =	vld [tilespmem:s15+$0x0];
	s8 =	spop (v2sf);
	p0 =	por !p0, !p0  }
0x25a: {  	s17 =	simm.s32 $0x8;
	s2 =	sadd.s32 s8, s7;
	s30 =	simm.s32 @p0 $0x1;
	v3, _, _ =	vpop (xrf0)  }
0x25b: {  	p5 =	sge.s32 s2, s26;
	p2 =	seq.s32 s30, $0x0;
	s6 =	spop (v2sf);
	(v2sf) =	vpush v3, $0xF  }
0x25c: {  	s4 =	simm.s32 $0x34;
	s5 =	simm.s32 $0x3D;
	(xrf0) =	vadd.scan.msk.s32 $0xffff, v5;
	p1 =	por !p5, !p2  }
0x25d: {  	s28 =	simm.s32 $0x0;
	s0 =	simm.s32 $0x38;
	p1 =	por !p1, !p1  }
0x25e: {  	s28 =	smov.u32 @p0 s28;
	(xrf0) =	vadd.scan.msk.s32 $0xffff, v6;
	s6 =	sadd.s32 s6, s2;
	s30 =	simm.s32 @p1 $0x1;
	v5, _, _ =	vpop (xrf0)  }
0x25f: {  	v2 =	vld [tilespmem:s15+$0xFFFFFFF0];
	s25 =	smov.u32 @p0 s1;
	p6 =	sge.s32 s6, s26;
	p3 =	seq.s32 s30, $0x0;
	(v2sf) =	vpush v5, $0xF  }
0x260: {  	s1 =	simm.s32 $0x33;
	s28 =	smov.u32 @p1 s7;
	p4 =	por !p6, !p3  }
0x261: {  	s7 =	simm.s32 $0x3E;
	p0 =	por !p4, !p4;
	s9 =	spop (v2sf)  }
0x262: {  	s25 =	smov.u32 @p1 s7;
	v3, _, _ =	vpop (xrf0);
	s30 =	simm.s32 @p0 $0x1;
	s7 =	sadd.s32 s9, s6  }
0x263: {  	v8 =	vld [tilespmem:s15+$0xFFFFFFE0];
	(v2sf) =	vpush v3, $0xF;
	s25 =	smov.u32 @p0 s5;
	p5 =	sge.s32 s7, s26;
	p6 =	seq.s32 s30, $0x0  }
0x264: {  	(xrf0) =	vadd.scan.msk.s32 $0xffff, v2;
	v9, _, _ =	vpop (xrf0);
	s28 =	smov.u32 @p0 s2;
	s2 =	spop (v2sf);
	p0 =	por !p5, !p6  }
.LBB2_17:
0x265: {  	s17 =	sadd.s32 $0x4, s17;
	s2 =	sadd.s32 s7, s2;
	p0 =	por !p0, !p0  }
0x266: {  	(v2sf) =	vpush v9, $0xF;
	s5 =	smov.u32 s31;
	s31 =	smov.u32 s29;
	s29 =	smov.u32 s1  }
0x267: {  	v2 =	vld [tilespmem:s15+$0xFFFFFFD0];
	p2 =	sge.s32 s2, s26;
	s25 =	smov.u32 @p0 s14;
	s30 =	simm.s32 @p0 $0x1  }
0x268: {  	p1 =	slt.u32 s17, $0x3C;
	s28 =	smov.u32 @p0 s6;
	(xrf0) =	vadd.scan.msk.s32 $0xffff, v8;
	p3 =	seq.s32 s30, $0x0  }
0x269: {  	s6 =	sadd.s32 $0xFFFFFFFD, s1;
	s15 =	sadd.s32 $0xFFFFFFC0, s15;
	p0 =	por !p3, !p2  }
0x26a: {  	s14 =	smov.u32 s0;
	v3 =	vld [tilespmem:s15+$0x0];
	v5, _, _ =	vpop (xrf0);
	p0 =	por !p0, !p0;
	s8 =	spop (v2sf)  }
0x26b: {  	s0 =	smov.u32 s4;
	(v2sf) =	vpush v5, $0xF;
	s30 =	simm.s32 @p0 $0x1;
	s8 =	sadd.s32 s8, s2  }
0x26c: {  	s4 =	smov.u32 s6;
	(xrf0) =	vadd.scan.msk.s32 $0xffff, v2;
	p2 =	sge.s32 s8, s26;
	p3 =	seq.s32 s30, $0x0  }
0x26d: {  	s9 =	sadd.s32 $0xFFFFFFFE, s5;
	p2 =	por !p2, !p3  }
0x26e: {  	s28 =	smov.u32 @p0 s7;
	v2, _, _ =	vpop (xrf0);
	p2 =	por !p2, !p2;
	s6 =	spop (v2sf)  }
0x26f: {  	v5 =	vld [tilespmem:s15+$0xFFFFFFF0];
	(xrf0) =	vadd.scan.msk.s32 $0xffff, v3;
	(v2sf) =	vpush v2, $0xF;
	s28 =	smov.u32 @p2 s2;
	s30 =	simm.s32 @p2 $0x1;
	s6 =	sadd.s32 s6, s8  }
0x270: {  	s2 =	sadd.s32 $0xFFFFFFFF, s5;
	p3 =	sge.s32 s6, s26;
	p4 =	seq.s32 s30, $0x0  }
.Ltmp17:
0x271: {  	s25 =	smov.u32 @p0 s5;
	p0 =	por !p3, !p4;
	(pc) =	sbr.rel @p1 .LBB2_17-.Ltmp17, $4  }
0x272: {  	s25 =	smov.u32 @p2 s2;
	v2, _, _ =	vpop (xrf0);
	p0 =	por !p0, !p0;
	s2 =	spop (v2sf)  }
0x273: {  	v8 =	vld [tilespmem:s15+$0xFFFFFFE0];
	(v2sf) =	vpush v2, $0xF;
	s25 =	smov.u32 @p0 s9;
	s30 =	simm.s32 @p0 $0x1;
	s7 =	sadd.s32 s2, s6  }
0x274: {  	s28 =	smov.u32 @p0 s8;
	(xrf0) =	vadd.scan.msk.s32 $0xffff, v5;
	p0 =	sge.s32 s7, s26;
	p2 =	seq.s32 s30, $0x0  }
0x275: {  	s1 =	sadd.s32 $0xFFFFFFFC, s1;
	v9, _, _ =	vpop (xrf0);
	s2 =	spop (v2sf);
	p0 =	por !p0, !p2  }
0x276: {  	p0 =	por !p0, !p0  }
0x277: {  	s1 =	simm.s32 @!p0 $0x0  }
0x278: {  	s1 =	simm.s32 @p0 $0x1  }
0x279: {  	(v2sf) =	vpush v9, $0xF;
	s30 =	simm.s32 @p0 $0x1;
	[smem:$0x7F7] =	sst s1;
	s1 =	sadd.s32 s7, s2  }
0x27a: {  	p1 =	seq.s32 s30, $0x0;
	v2 =	vld [tilespmem:s15+$0xFFFFFFD0];
	p4 =	sge.s32 s1, s26  }
0x27b: {  	(xrf0) =	vadd.scan.msk.s32 $0xffff, v8;
	p0 =	por !p1, !p4  }
0x27c: {  	v3, _, _ =	vpop (xrf0);
	s15 =	spop (v2sf);
	p2 =	por !p0, !p0  }
0x27d: {  	(v2sf) =	vpush v3, $0xF;
	s15 =	sadd.s32 s15, s1;
	s30 =	simm.s32 @p2 $0x1  }
0x27e: {  	p5 =	sge.s32 s15, s26;
	p6 =	seq.s32 s30, $0x0  }
0x27f: {  	(xrf0) =	vadd.scan.msk.s32 $0xffff, v2;
	p0 =	por !p5, !p6  }
0x280: {  	s17 =	spop (v2sf);
	p3 =	por !p0, !p0  }
0x281: {  	v2, _, _ =	vpop (xrf0);
	s17 =	sadd.s32 s17, s15;
	s30 =	simm.s32 @p3 $0x1  }
0x282: {  	(v2sf) =	vpush v2, $0xF;
	p1 =	sge.s32 s17, s26;
	p4 =	seq.s32 s30, $0x0  }
0x283: {  	p0 =	por !p1, !p4  }
0x284: {  	s8 =	spop (v2sf);
	p4 =	por !p0, !p0  }
0x285: {  	s5 =	simm.s32 @!p2 $0x0;
	s2 =	sadd.s32 s8, s17;
	v2, _, _ =	vpop (xrf0);
	s30 =	simm.s32 @p4 $0x1  }
0x286: {  	s5 =	simm.s32 @p2 $0x1;
	p5 =	sge.s32 s2, s26;
	(v2sf) =	vpush v2, $0xF;
	p6 =	seq.s32 s30, $0x0  }
0x287: {  	[smem:$0x7F8] =	sst s5;
	s5 =	simm.s32 @!p3 $0x0;
	p0 =	por !p5, !p6  }
0x288: {  	s5 =	simm.s32 @p3 $0x1;
	s9 =	spop (v2sf);
	p5 =	por !p0, !p0  }
0x289: {  	[smem:$0x7F9] =	sst s5;
	s5 =	sadd.s32 s2, s9;
	s30 =	simm.s32 @p5 $0x1  }
0x28a: {  	p1 =	sge.s32 s5, s26;
	p6 =	seq.s32 s30, $0x0  }
0x28b: {  	p0 =	por !p6, !p1  }
0x28c: {  	s9 =	sld [smem:$0x7F7];
	s8 =	spop (v2sf);
	p6 =	por !p0, !p0  }
0x28d: {  	s8 =	sadd.s32 s8, s5;
	s30 =	simm.s32 @p6 $0x1  }
0x28e: {  	p0 =	sge.s32 s8, s26;
	p1 =	seq.s32 s30, $0x0  }
0x28f: {  	p0 =	por !p0, !p1;
	p1 =	seq.s32 s9, $0x1  }
0x290: {  	s9 =	sadd.s32 $0xFFFFFFFF, s31;
	s25 =	smov.u32 @p1 s14  }
0x291: {  	s14 =	spop (v2sf);
	s25 =	smov.u32 @p2 s31;
	p2 =	por !p0, !p0  }
0x292: {  	s25 =	smov.u32 @p3 s9;
	s30 =	simm.s32 @p2 $0x1;
	s9 =	sadd.s32 s14, s8  }
0x293: {  	s14 =	sadd.s32 $0xFFFFFFFE, s31;
	p1 =	sge.s32 s9, s26;
	p3 =	seq.s32 s30, $0x0  }
0x294: {  	s25 =	smov.u32 @p4 s14;
	p0 =	por !p1, !p3  }
0x295: {  	s14 =	sadd.s32 $0xFFFFFFFF, s29;
	p0 =	por !p0, !p0;
	s31 =	spop (v2sf)  }
0x296: {  	s25 =	smov.u32 @p5 s0;
	s30 =	simm.s32 @p0 $0x1;
	s0 =	sadd.s32 s31, s9  }
0x297: {  	s25 =	smov.u32 @p6 s29;
	p1 =	sge.s32 s0, s26;
	p3 =	seq.s32 s30, $0x0  }
0x298: {  	s25 =	smov.u32 @p2 s14;
	s0 =	sadd.s32 $0xFFFFFFFE, s29;
	p1 =	por !p1, !p3  }
0x299: {  	s25 =	smov.u32 @p0 s0;
	p1 =	por !p1, !p1  }
0x29a: {  	s25 =	smov.u32 @p1 s4  }
0x29b: {  	s30 =	sshll.u32 s25, $0x4  }
0x29c: {  	v2 =	vld [tilespmem:s30+$0x18000];
	_ =	sdelay $0x4  }
0x29d: {  	(xrf0) =	vadd.scan.msk.s32 $0xffff, v2;
	_ =	sdelay $0x5  }
0x29e: {  	v3, _, _ =	vpop (xrf0)  }
0x29f: {  	s31 =	sld [smem:$0x7F7];
	(v2sf) =	vpush v3, $0xF;
	_ =	sdelay $0x2  }
0x2a0: {  	p3 =	seq.s32 s31, $0x1  }
0x2a1: {  	s28 =	smov.u32 @p3 s6;
	s6 =	sld [smem:$0x7F8]  }
0x2a2: {  	s14 =	sld [smem:$0x7F9];
	_ =	sdelay $0x1  }
0x2a3: {  	p3 =	seq.s32 s6, $0x1  }
0x2a4: {  	s28 =	smov.u32 @p3 s7;
	p3 =	seq.s32 s14, $0x1  }
0x2a5: {  	s28 =	smov.u32 @p3 s1  }
0x2a6: {  	s28 =	smov.u32 @p4 s15  }
0x2a7: {  	s28 =	smov.u32 @p5 s17  }
0x2a8: {  	s28 =	smov.u32 @p6 s2  }
0x2a9: {  	s28 =	smov.u32 @p2 s5  }
0x2aa: {  	s28 =	smov.u32 @p0 s8  }
0x2ab: {  	s28 =	smov.u32 @p1 s9;
	s25 =	spop (v2sf)  }
0x2ac: {  	v5 =	vsub.s32 v2, v3;
	s25 =	sadd.s32 s28, s25  }
0x2ad: {  	v5 =	vadd.s32 s25, v5  }
0x2ae: {  	vm0 =	vge.s32 v5, s26  }
0x2af: {  	v5 =	vsel vm0, $0x1, v0  }
0x2b0: {  	(xrf0) =	vadd.scan.msk.s32 $0xffff, v5;
	_ =	sdelay $0x5  }
0x2b1: {  	v5, _, _ =	vpop (xrf0)  }
0x2b2: {  	(v2sf) =	vpush v5, $0xF;
	_ =	sdelay $0xe  }
0x2b3: {  	s29 =	spop (v2sf)  }
0x2b4: {  	s1 =	sadd.s32 $0xFFFFFFFF, s29  }
0x2b5: {  	v5 =	vmov s1  }
0x2b6: {  	vm15 =	veq.s32 v5, v1  }
0x2b7: {  	v3 =	vnsel vm15, $0x0, v3  }
0x2b8: {  	v2 =	vnsel vm15, $0x0, v2;
	(xrf0) =	vadd.scan.msk.s32 $0xffff, v3  }
0x2b9: {  	(xrf0) =	vadd.scan.msk.s32 $0xffff, v2;
	_ =	sdelay $0x4  }
0x2ba: {  	v2, _, _ =	vpop (xrf0)  }
0x2bb: {  	(v2sf) =	vpush v2, $0xF;
	v2, _, _ =	vpop (xrf0)  }
0x2bc: {  	(v2sf) =	vpush v2, $0xF;
	_ =	sdelay $0x6  }
0x2bd: {  	s31 =	sld [smem:$0x7FA];
	_ =	sdelay $0x2  }
0x2be: {  	p0 =	seq.s32 s31, $0x1  }
.Ltmp18:
0x2bf: {  	_ = 	snop;
	(pc) =	sbr.rel @p0 .LBB2_19-.Ltmp18, $3  }
0x2c0: {  	_ =	sdelay $0x1  }
0x2c1: {  	s0 =	sadd.s32 s30, s1;
	s30 =	sshll.u32 s23, $0xA;
	s26 =	spop (v2sf)  }
0x2c2: {  	s23 =	sor.u32 s30, s0;
	s28 =	spop (v2sf)  }
0x2c3: {  	s4 =	simm.s32 $0x19090  }
0x2c4: {  	s0 =	simm.s32 $0x0;
	v14 =	vld [tilespmem:s4+$0xFFFFFFF0]  }
0x2c5: {  	v11 =	vmov s21;
	v2 =	vor.u32 s0, v1  }
0x2c6: {  	vm1 =	vlt.s32 v2, v11;
	_ =	sdelay $0x5  }
0x2c7: {  	v12 =	vld.idx.msk [tilespmem:v14+s3+$0x0], vm1;
	_ =	sdelay $0x3  }
0x2c8: {  	v10 =	vld.idx.msk [tilespmem:v14+s16+$0x0], vm1  }
0x2c9: {  	p2 =	sgt.u32 s20, $0x2;
	v2 =	vand.u32 $0x7FFFFFFF, v12  }
.Ltmp19:
0x2ca: {  	v2 =	vsub.f32 $0.0e+00, v2;
	(pc) =	sbr.rel @!p2 .LBB2_38-.Ltmp19, $4  }
0x2cb: {  	_ = 	snop  }
0x2cc: {  	v2 =	vmul.f32 $1.442695020e+00, v2  }
0x2cd: {  	v9 =	vmov s23;
	v8 =	vimm.f32 $0.0e+00;
	s1 =	simm.s32 $0x10;
	p0 =	por $0x0, $0x0;
	v3 =	vshrl.u32 v10, $0xA  }
0x2ce: {  	p1 =	por $0x0, $0x0;
	s0 =	simm.s32 $0x190B0;
	v16 =	vld [tilespmem:s4+$0x0];
	v34 =	vor.u32 s1, v1;
	s1 =	simm.s32 $0x30;
	vm3 =	vge.s32 v3, v9;
	(erf) = vpow2.f32 v2  }
0x2cf: {  	_ =	sdelay $0x2  }
0x2d0: {  	s2 =	simm.s32 $0x20;
	v17 =	vld [tilespmem:s0+$0xFFFFFFF0]  }
0x2d1: {  	vm9 =	vlt.s32 v34, v11;
	v2 =	vor.u32 s2, v1  }
0x2d2: {  	vm0 =	vmmov vm1;
	v29 =	vld.idx.msk [tilespmem:v14+s10+$0x0], vm1;
	vm1 =	vlt.s32 v2, v11;
	_ =	sdelay $0x2  }
0x2d3: {  	v2 =	vpop (erf)  }
0x2d4: {  	v3 =	vadd.f32 $1.000000000e+00, v2  }
0x2d5: {  	v31 =	vld.idx.msk [tilespmem:v16+s3+$0x0], vm9  }
0x2d6: {  	v19 =	vld.idx.msk [tilespmem:v17+s3+$0x0], vm1;
	(erf) = vrcp.f32 v3;
	_ =	sdelay $0x2  }
0x2d7: {  	vm6 =	vgt.f32 v12, $0.0e+00;
	v18 =	vld.idx.msk [tilespmem:v16+s16+$0x0], vm9  }
0x2d8: {  	v34 =	vor.u32 s1, v1;
	vm2 =	vmand vm0, vm3;
	v15 =	vld.idx.msk [tilespmem:v17+s16+$0x0], vm1;
	v3 =	vand.u32 $0x7FFFFFFF, v31  }
0x2d9: {  	p2 =	sgt.u32 s20, $0x4;
	vm3 =	vge.f32 v12, $0.0e+00;
	v3 =	vsub.f32 $0.0e+00, v3;
	v5 =	vand.u32 $0x7FFFFFFF, v19  }
.Ltmp20:
0x2da: {  	vm0 =	vmand vm6, vm2;
	vm4 =	vgt.f32 v29, $0.0e+00;
	v5 =	vsub.f32 $0.0e+00, v5;
	(pc) =	sbr.rel @!p2 .LBB2_40-.Ltmp20, $4  }
0x2db: {  	v23 =	vmpcnt.ones.xlane vm0;
	vm5 =	vmor vm6, vm4;
	v3 =	vmul.f32 $1.442695020e+00, v3  }
0x2dc: {  	v2 =	vsel vm3, $0x3F800000, v2;
	v6 =	vshrl.u32 v18, $0xA;
	v5 =	vmul.f32 $1.442695020e+00, v5  }
0x2dd: {  	v33 =	vld [tilespmem:s0+$0x0];
	vm6 =	vge.s32 v6, v9;
	v7 =	vpop (erf);
	(erf) = vpow2.f32 v3;
	v3 =	vshrl.u32 v15, $0xA  }
0x2de: {  	s4 =	simm.s32 $0x190D0;
	s1 =	simm.s32 $0x50;
	p0 =	por $0x1, $0x1;
	v13 =	vld.idx.msk [tilespmem:v16+s10+$0x0], vm9;
	(erf) = vpow2.f32 v5;
	v30 =	vmul.f32 v7, v2;
	vm3 =	vge.s32 v3, v9  }
0x2df: {  	_ =	sdelay $0x3  }
0x2e0: {  	v14 =	vld [tilespmem:s4+$0xFFFFFFF0];
	vm7 =	vlt.s32 v34, v11  }
0x2e1: {  	s0 =	simm.s32 $0x40;
	vm8 =	vmmov vm9;
	vm10 =	vmmov vm1;
	v20 =	vld.idx.msk [tilespmem:v17+s10+$0x0], vm1;
	v17 =	vadd.s32 v40, v23  }
0x2e2: {  	vm0 =	vmand vm2, vm5;
	vm4 =	vmand vm2, vm4;
	v2 =	vor.u32 s0, v1  }
0x2e3: {  	v10 =	vnsel vm2, $0x0, v10;
	vm12 =	vgt.f32 v19, $0.0e+00;
	vm1 =	vlt.s32 v2, v11  }
0x2e4: {  	vm9 =	vgt.f32 v31, $0.0e+00;
	v34 =	vor.u32 s1, v1;
	v3 =	vnsel vm2, $0x0, v30  }
0x2e5: {  	v16 =	vmpcnt.ones.xlane vm4;
	v27 =	vadd.f32 v10, v4;
	vm8 =	vmand vm8, vm6;
	v5 =	vpop (erf)  }
0x2e6: {  	v2 =	vmul.f32 v30, v29;
	v3 =	vadd.f32 v3, v8;
	v6 =	vpop (erf);
	v7 =	vadd.f32 $1.000000000e+00, v5  }
0x2e7: {  	v36 =	vnsel vm8, $0x0, v18;
	v22 =	vadd.s32 v38, v16;
	v12 =	vadd.f32 $1.000000000e+00, v6  }
0x2e8: {  	v2 =	vnsel vm2, $0x0, v2;
	vm11 =	vgt.f32 v13, $0.0e+00;
	v24 =	vld.idx.msk [tilespmem:v33+s3+$0x0], vm7;
	(erf) = vrcp.f32 v7  }
0x2e9: {  	v25 =	vnsel vm8, $0x0, v13;
	vm4 =	vgt.f32 v20, $0.0e+00;
	(erf) = vrcp.f32 v12;
	v12 =	vld.idx.msk [tilespmem:v14+s3+$0x0], vm1  }
0x2ea: {  	v21 =	vadd.f32 v2, v8;
	v2 =	vmpcnt.ones.xlane vm0;
	vm0 =	vge.f32 v31, $0.0e+00  }
0x2eb: {  	vm13 =	vmor vm9, vm11;
	v5 =	vsel vm0, $0x3F800000, v5;
	vm0 =	vge.f32 v19, $0.0e+00  }
0x2ec: {  	vm5 =	vmor vm12, vm4;
	v26 =	vld.idx.msk [tilespmem:v33+s16+$0x0], vm7;
	v2 =	vadd.s32 v39, v2;
	v6 =	vsel vm0, $0x3F800000, v6  }
0x2ed: {  	vm0 =	vmand vm8, vm13;
	v7 =	vnsel vm2, $0x0, v29;
	v10 =	vand.u32 $0x7FFFFFFF, v24  }
0x2ee: {  	vm2 =	vmand vm10, vm3;
	v16 =	vsub.f32 $0.0e+00, v10;
	v23 =	vand.u32 $0x7FFFFFFF, v12  }
0x2ef: {  	v28 =	vmpcnt.ones.xlane vm0;
	vm0 =	vmand vm9, vm8;
	v10 =	vld.idx.msk [tilespmem:v14+s16+$0x0], vm1;
	v19 =	vsub.f32 $0.0e+00, v23  }
0x2f0: {  	v7 =	vadd.f32 v7, v8;
	vm3 =	vmand vm12, vm2;
	v16 =	vmul.f32 $1.442695020e+00, v16  }
0x2f1: {  	p2 =	sgt.u32 s20, $0x6;
	v29 =	vshrl.u32 v26, $0xA;
	v37 =	vmpcnt.ones.xlane vm0;
	v19 =	vmul.f32 $1.442695020e+00, v19  }
.Ltmp21:
0x2f2: {  	v28 =	vadd.s32 v28, v2;
	v23 =	vmpcnt.ones.xlane vm3;
	v30 =	vpop (erf);
	(erf) = vpow2.f32 v16;
	(pc) =	sbr.rel @!p2 .LBB2_42-.Ltmp21, $4  }
0x2f3: {  	vm3 =	vmand vm8, vm11;
	v5 =	vmul.f32 v30, v5;
	(erf) = vpow2.f32 v19  }
0x2f4: {  	v25 =	vadd.f32 v25, v7;
	v2 =	vshrl.u32 v10, $0xA;
	v32 =	vmpcnt.ones.xlane vm3  }
0x2f5: {  	s6 =	simm.s32 $0x70;
	vm3 =	vge.s32 v2, v9;
	v16 =	vld [tilespmem:s4+$0x0];
	v7 =	vpop (erf);
	v2 =	vnsel vm8, $0x0, v5;
	v35 =	vmul.f32 v5, v13  }
0x2f6: {  	p1 =	por $0x1, $0x1;
	s0 =	simm.s32 $0x6;
	vm6 =	vge.s32 v29, v9;
	s4 =	simm.s32 $0x190F0;
	v30 =	vmul.f32 v7, v6;
	v13 =	vld.idx.msk [tilespmem:v33+s10+$0x0], vm7;
	v19 =	vadd.f32 v2, v3  }
.LBB2_43:
0x2f7: {  	v3 =	vnsel vm8, $0x0, v35;
	v5 =	vadd.s32 v32, v22  }
0x2f8: {  	s1 =	sadd.s32 $0xFFFFFFF0, s6;
	v2 =	vld [tilespmem:s4+$0xFFFFFFF0];
	s0 =	sadd.s32 $0x2, s0;
	vm8 =	vmmov vm7;
	vm7 =	vlt.s32 v34, v11;
	vm9 =	vmmov vm1  }
0x2f9: {  	v18 =	vadd.f32 v36, v27;
	v6 =	vor.u32 s1, v1;
	p2 =	slt.u32 s0, s20;
	v7 =	vld.idx.msk [tilespmem:v14+s10+$0x0], vm1;
	v3 =	vadd.f32 v3, v21  }
0x2fa: {  	v14 =	vadd.s32 v37, v17;
	vm1 =	vlt.s32 v6, v11;
	v6 =	vmul.f32 v30, v20  }
0x2fb: {  	v29 =	vnsel vm2, $0x0, v30;
	vm0 =	vmand vm2, vm5;
	v17 =	vadd.s32 v14, v23;
	v23 =	vpop (erf)  }
0x2fc: {  	vm4 =	vmand vm2, vm4;
	v30 =	vpop (erf);
	v6 =	vnsel vm2, $0x0, v6;
	v21 =	vadd.f32 $1.000000000e+00, v23  }
0x2fd: {  	v27 =	vnsel vm2, $0x0, v15;
	v15 =	vmovc v10;
	v31 =	vmovc v16;
	v22 =	vadd.f32 $1.000000000e+00, v30;
	v14 =	vmov v2  }
0x2fe: {  	v10 =	vmpcnt.ones.xlane vm4;
	v32 =	vld.idx.msk [tilespmem:v16+s3+$0x0], vm7;
	(erf) = vrcp.f32 v21  }
0x2ff: {  	vm11 =	vgt.f32 v13, $0.0e+00;
	vm4 =	vgt.f32 v7, $0.0e+00;
	v33 =	vld.idx.msk [tilespmem:v16+s16+$0x0], vm7;
	(erf) = vrcp.f32 v22  }
0x300: {  	vm12 =	vgt.f32 v12, $0.0e+00;
	v21 =	vadd.f32 v6, v3;
	v22 =	vadd.s32 v5, v10;
	v16 =	vld.idx.msk [tilespmem:v2+s3+$0x0], vm1  }
0x301: {  	vm10 =	vgt.f32 v24, $0.0e+00;
	vm5 =	vmor vm12, vm4;
	v10 =	vld.idx.msk [tilespmem:v2+s16+$0x0], vm1;
	v2 =	vmpcnt.ones.xlane vm0  }
0x302: {  	vm13 =	vmor vm10, vm11;
	v3 =	vnsel vm2, $0x0, v20;
	v20 =	vmovc v7;
	vm0 =	vge.f32 v24, $0.0e+00  }
0x303: {  	v27 =	vadd.f32 v27, v18;
	v3 =	vadd.f32 v3, v25;
	v2 =	vadd.s32 v28, v2  }
0x304: {  	vm8 =	vmand vm8, vm6;
	v6 =	vsel vm0, $0x3F800000, v23;
	v5 =	vand.u32 $0x7FFFFFFF, v32;
	v24 =	vmovc v32  }
0x305: {  	vm2 =	vmand vm9, vm3;
	v7 =	vnsel vm8, $0x0, v13;
	v5 =	vsub.f32 $0.0e+00, v5  }
0x306: {  	vm3 =	vmand vm12, vm2;
	vm0 =	vge.f32 v12, $0.0e+00;
	v25 =	vand.u32 $0x7FFFFFFF, v16;
	v12 =	vmovc v16  }
0x307: {  	v23 =	vmpcnt.ones.xlane vm3;
	v16 =	vsub.f32 $0.0e+00, v25;
	v5 =	vmul.f32 $1.442695020e+00, v5;
	v18 =	vpop (erf)  }
0x308: {  	v30 =	vsel vm0, $0x3F800000, v30;
	vm0 =	vmand vm8, vm13;
	v34 =	vshrl.u32 v33, $0xA;
	v35 =	vpop (erf)  }
0x309: {  	vm3 =	vmand vm8, vm11;
	v28 =	vmpcnt.ones.xlane vm0;
	v16 =	vmul.f32 $1.442695020e+00, v16  }
0x30a: {  	v32 =	vmpcnt.ones.xlane vm3;
	v25 =	vadd.f32 v7, v3;
	(erf) = vpow2.f32 v5  }
.Ltmp22:
0x30b: {  	v28 =	vadd.s32 v28, v2;
	v3 =	vmul.f32 v18, v6;
	(erf) = vpow2.f32 v16;
	(pc) =	sbr.rel @p2 .LBB2_43-.Ltmp22, $4  }
0x30c: {  	v2 =	vshrl.u32 v10, $0xA;
	v30 =	vmul.f32 v35, v30;
	v5 =	vadd.f32 v29, v19  }
0x30d: {  	vm3 =	vge.s32 v2, v9;
	v2 =	vnsel vm8, $0x0, v3;
	v35 =	vmul.f32 v3, v13  }
0x30e: {  	vm0 =	vmand vm10, vm8;
	vm6 =	vge.s32 v34, v9;
	v19 =	vadd.f32 v2, v5;
	v16 =	vld [tilespmem:s4+$0x0]  }
0x30f: {  	v36 =	vnsel vm8, $0x0, v26;
	v26 =	vmovc v33;
	v34 =	vor.u32 s6, v1;
	s6 =	sadd.s32 $0x20, s6;
	v37 =	vmpcnt.ones.xlane vm0;
	s4 =	sadd.s32 $0x20, s4;
	v13 =	vld.idx.msk [tilespmem:v31+s10+$0x0], vm7  }
0x310: {  	vm9 =	vmmov vm7;
	v29 =	vmovc v20;
	v20 =	vmovc v15;
	v31 =	vmov v24;
	v18 =	vmov v26  }
.LBB2_45:
0x311: {  	_ =	sdelay $0x2  }
0x312: {  	vm7 =	vlt.s32 v34, v11;
	v2 =	vnsel @p1 vm8, $0x0, v35;
	v3 =	vadd.s32 @p1 v32, v22  }
0x313: {  	vm8 =	vmmov @p0 vm9;
	vm9 =	vmmov vm1;
	v6 =	vadd.s32 @p1 v37, v17  }
0x314: {  	v5 =	vld.idx.msk [tilespmem:v14+s10+$0x0], vm1;
	v7 =	vadd.f32 @p1 v36, v27;
	v11 =	vmul.f32 @p0 v30, v29;
	v14 =	vnsel @p0 vm2, $0x0, v30  }
0x315: {  	vm0 =	vmand @p0 vm2, vm5;
	vm1 =	vmand @p0 vm2, vm4;
	v20 =	vnsel @p0 vm2, $0x0, v20  }
0x316: {  	vm11 =	vgt.f32 v12, $0.0e+00;
	vm5 =	vgt.f32 @p0 v31, $0.0e+00;
	vm15 =	vge.f32 v12, $0.0e+00  }
0x317: {  	v6 =	vpsel p1, v6, v40;
	v2 =	vadd.f32 @p1 v2, v21;
	v24 =	vmpcnt.ones.xlane @p0 vm1  }
0x318: {  	v3 =	vpsel p1, v3, v38;
	vm6 =	vmand @p0 vm8, vm6;
	vm13 =	vmand vm9, vm3;
	v49 =	vld.idx.msk [tilespmem:v16+s3+$0x0], vm7  }
0x319: {  	v14 =	vadd.f32 @p0 v14, v19;
	vm9 =	vmmov vm7;
	v6 =	vadd.s32 @p0 v6, v23  }
0x31a: {  	v15 =	vpop @p0 (erf);
	v11 =	vnsel @p0 vm2, $0x0, v11;
	v7 =	vpsel p1, v7, v4;
	vm14 =	vmand vm11, vm13  }
0x31b: {  	v10 =	vnsel vm13, $0x0, v10;
	v21 =	vadd.f32 @p0 $1.000000000e+00, v15;
	vm10 =	vgt.f32 @p0 v13, $0.0e+00  }
0x31c: {  	v2 =	vpsel p1, v2, v8;
	v3 =	vadd.s32 @p0 v3, v24;
	v7 =	vadd.f32 @p0 v20, v7  }
0x31d: {  	v47 =	vpop (erf);
	v24 =	vnsel @p0 vm6, $0x0, v13;
	v52 =	vmpcnt.ones.xlane vm14;
	v50 =	vand.u32 $0x7FFFFFFF, v49  }
0x31e: {  	v6 =	vpsel p0, v6, v0;
	v48 =	vadd.f32 $1.000000000e+00, v47;
	v20 =	vsub.f32 $0.0e+00, v50  }
0x31f: {  	v2 =	vadd.f32 @p0 v11, v2;
	v11 =	vmpcnt.ones.xlane @p0 vm0;
	(erf) = vrcp.f32 @p0 v21  }
0x320: {  	vm0 =	vge.f32 @p0 v31, $0.0e+00;
	vm12 =	vmor @p0 vm5, vm10;
	v20 =	vmul.f32 $1.442695020e+00, v20  }
0x321: {  	v17 =	vsel vm15, $0x3F800000, v47;
	vm3 =	vmand @p0 vm6, vm10;
	(erf) = vrcp.f32 v48  }
0x322: {  	v3 =	vpsel p0, v3, v0;
	vm1 =	vgt.f32 v5, $0.0e+00;
	(erf) = vpow2.f32 v20  }
0x323: {  	v21 =	vnsel @p0 vm2, $0x0, v29;
	v15 =	vsel @p0 vm0, $0x3F800000, v15;
	vm0 =	vmand @p0 vm6, vm12;
	v51 =	vld.idx.msk [tilespmem:v16+s16+$0x0], vm7  }
0x324: {  	v7 =	vpsel p0, v7, v0;
	vm4 =	vmor vm11, vm1;
	v21 =	vadd.f32 @p0 v21, v25;
	v58 =	vld.idx.msk [tilespmem:v16+s10+$0x0], vm7  }
0x325: {  	v11 =	vadd.s32 @p0 v28, v11;
	v26 =	vmpcnt.ones.xlane @p0 vm0;
	vm0 =	vmand @p0 vm5, vm6  }
0x326: {  	v2 =	vpsel p0, v2, v0;
	vm1 =	vmand vm13, vm1;
	v21 =	vadd.f32 @p0 v24, v21  }
0x327: {  	vm4 =	vmand vm13, vm4;
	v62 =	vmpcnt.ones.xlane vm1;
	v11 =	vadd.s32 @p0 v26, v11  }
0x328: {  	v24 =	vmpcnt.ones.xlane @p0 vm3;
	v11 =	vpsel p0, v11, v39;
	v55 =	vpsel p0, v21, v8;
	v20 =	vpop @p0 (erf)  }
0x329: {  	v53 =	vshrl.u32 v51, $0xA;
	vm10 =	vgt.f32 v58, $0.0e+00;
	v15 =	vmul.f32 @p0 v20, v15  }
0x32a: {  	vm11 =	vgt.f32 v49, $0.0e+00;
	vm12 =	vge.f32 v49, $0.0e+00;
	vm8 =	vge.s32 v53, v9;
	v54 =	vpop (erf)  }
0x32b: {  	v17 =	vmul.f32 v54, v17;
	v19 =	vnsel @p0 vm6, $0x0, v15;
	v13 =	vmul.f32 @p0 v15, v13;
	v56 =	vpop (erf)  }
0x32c: {  	v15 =	vmpcnt.ones.xlane @p0 vm0;
	vm0 =	vmmov @p0 vm6;
	v57 =	vadd.f32 $1.000000000e+00, v56  }
0x32d: {  	v9 =	vadd.f32 @p0 v19, v14;
	v14 =	vnsel @p0 vm6, $0x0, v18;
	v18 =	vpsel p0, v24, v0  }
0x32e: {  	v59 =	vmul.f32 v17, v5;
	v60 =	vnsel vm13, $0x0, v17;
	(erf) = vrcp.f32 v57  }
0x32f: {  	v5 =	vnsel vm13, $0x0, v5;
	v13 =	vpsel p0, v13, v0;
	v14 =	vpsel p0, v14, v0  }
0x330: {  	v15 =	vpsel p0, v15, v0;
	v3 =	vadd.s32 @p0 v18, v3;
	v5 =	vadd.f32 v5, v55  }
0x331: {  	v9 =	vpsel p0, v9, v8;
	v13 =	vnsel @p0 vm0, $0x0, v13;
	v7 =	vadd.f32 @p0 v14, v7  }
0x332: {  	v6 =	vadd.s32 @p0 v15, v6;
	v61 =	vnsel vm13, $0x0, v59;
	v3 =	vpsel p0, v3, v38  }
0x333: {  	vm13 =	vmor vm11, vm10;
	vm0 =	vmand vm9, vm8;
	v2 =	vadd.f32 @p0 v13, v2  }
0x334: {  	v6 =	vpsel p0, v6, v40;
	v3 =	vadd.s32 v3, v62;
	vm14 =	vmand vm0, vm13  }
0x335: {  	vm1 =	vmand vm0, vm10;
	v2 =	vpsel p0, v2, v8;
	v8 =	vmpcnt.ones.xlane vm4  }
0x336: {  	v9 =	vadd.f32 v60, v9;
	vm15 =	vmand vm11, vm0;
	v4 =	vpsel p0, v7, v4  }
0x337: {  	v63 =	vmpcnt.ones.xlane vm14;
	v7 =	vadd.s32 v11, v8;
	v8 =	vsel vm12, $0x3F800000, v56;
	v11 =	vpop (erf)  }
0x338: {  	v6 =	vadd.s32 v6, v52;
	v4 =	vadd.f32 v10, v4;
	v11 =	vmul.f32 v11, v8  }
.Ltmp23:
0x339: {  	v10 =	vnsel vm0, $0x0, v58;
	v39 =	vadd.s32 v63, v7;
	v7 =	vmpcnt.ones.xlane vm15;
	(pc) =	sbr.rel .LBB2_20-.Ltmp23, $4  }
0x33a: {  	v8 =	vadd.f32 v10, v5;
	v10 =	vnsel vm0, $0x0, v11;
	v11 =	vmul.f32 v11, v58  }
0x33b: {  	v2 =	vadd.f32 v61, v2;
	v40 =	vadd.s32 v7, v6;
	v5 =	vmpcnt.ones.xlane vm1  }
0x33c: {  	v9 =	vadd.f32 v10, v9;
	v10 =	vnsel vm0, $0x0, v51;
	v11 =	vnsel vm0, $0x0, v11  }
0x33d: {  	v38 =	vadd.s32 v5, v3;
	v4 =	vadd.f32 v10, v4;
	v10 =	vadd.f32 v11, v2  }
.LBB2_19:
0x33e: {  	v9 =	vimm.f32 $0.0e+00;
	v8 =	vimm.f32 $0.0e+00;
	v10 =	vimm.f32 $0.0e+00  }
.LBB2_20:
0x33f: {  	p0 =	seq.s32 s20, s19  }
.Ltmp24:
0x340: {  	_ = 	snop;
	(pc) =	sbr.rel @p0 .LBB2_23-.Ltmp24, $1  }
0x341: {  	_ =	sdelay $0x3  }
0x342: {  	s0 =	sshll.u32 s22, $0x2  }
0x343: {  	s0 =	sshra.s32 s0, $0x2  }
0x344: {  	s0 =	sand.u32 $0xFFFFFFE0, s0  }
0x345: {  	v11 =	vmov s21;
	v12 =	vmov s23;
	s1 =	sand.u32 $0xFFFFFFE0, s22;
	s0 =	sadd.s32 $0x19080, s0  }
.LBB2_22:
0x346: {  	v2 =	vld [tilespmem:s0+$0x0]  }
0x347: {  	v3 =	vor.u32 s1, v1  }
0x348: {  	vm0 =	vlt.s32 v3, v11;
	_ =	sdelay $0x5  }
0x349: {  	v3 =	vld.idx.msk [tilespmem:v2+s3+$0x0], vm0;
	_ =	sdelay $0x4  }
0x34a: {  	v5 =	vand.u32 $0x7FFFFFFF, v3  }
0x34b: {  	v5 =	vsub.f32 $0.0e+00, v5;
	_ =	sdelay $0x1  }
0x34c: {  	v5 =	vmul.f32 $1.442695020e+00, v5;
	_ =	sdelay $0x1  }
0x34d: {  	(erf) = vpow2.f32 v5;
	_ =	sdelay $0x8  }
0x34e: {  	v5 =	vpop (erf)  }
0x34f: {  	v6 =	vadd.f32 $1.000000000e+00, v5;
	_ =	sdelay $0x1  }
0x350: {  	(erf) = vrcp.f32 v6  }
0x351: {  	v6 =	vld.idx.msk [tilespmem:v2+s16+$0x0], vm0;
	_ =	sdelay $0x1  }
0x352: {  	v2 =	vld.idx.msk [tilespmem:v2+s10+$0x0], vm0;
	_ =	sdelay $0x2  }
0x353: {  	v7 =	vshrl.u32 v6, $0xA  }
0x354: {  	vm1 =	vge.f32 v3, $0.0e+00;
	vm14 =	vge.s32 v7, v12  }
0x355: {  	vm15 =	vgt.f32 v3, $0.0e+00;
	vm2 =	vgt.f32 v2, $0.0e+00;
	vm0 =	vmand vm0, vm14  }
0x356: {  	s20 =	sadd.s32 $0x1, s20;
	v5 =	vsel vm1, $0x3F800000, v5;
	vm1 =	vmor vm15, vm2;
	v6 =	vnsel vm0, $0x0, v6;
	v13 =	vpop (erf)  }
0x357: {  	p0 =	slt.u32 s20, s19;
	vm3 =	vmand vm15, vm0;
	vm2 =	vmand vm0, vm2;
	v5 =	vmul.f32 v13, v5  }
.Ltmp25:
0x358: {  	vm1 =	vmand vm0, vm1;
	v4 =	vadd.f32 v6, v4;
	v6 =	vnsel vm0, $0x0, v2;
	(pc) =	sbr.rel @p0 .LBB2_22-.Ltmp25, $4  }
0x359: {  	v3 =	vmpcnt.ones.xlane vm3;
	v7 =	vnsel vm0, $0x0, v5;
	v2 =	vmul.f32 v5, v2  }
0x35a: {  	v5 =	vmpcnt.ones.xlane vm2;
	v9 =	vadd.f32 v7, v9;
	v7 =	vmpcnt.ones.xlane vm1  }
0x35b: {  	v8 =	vadd.f32 v6, v8;
	v40 =	vadd.s32 v40, v3;
	v2 =	vnsel vm0, $0x0, v2  }
0x35c: {  	s0 =	sadd.s32 $0x10, s0;
	s1 =	sadd.s32 $0x10, s1;
	v38 =	vadd.s32 v38, v5;
	v10 =	vadd.f32 v2, v10;
	v39 =	vadd.s32 v39, v7  }
.Ltmp26:
0x35d: {  	_ = 	snop;
	(pc) =	sbr.rel .LBB2_23-.Ltmp26, $1  }
0x35e: {  	_ =	sdelay $0x3  }
.LBB2_14:
.Ltmp27:
0x35f: {  	(pc) =	sbr.rel .LBB2_34-.Ltmp27, $2  }
0x360: {  	_ =	sdelay $0x2  }
0x361: {  	vm2 =	vmmov vm5;
	v16 =	vmov v9  }
.LBB2_38:
.Ltmp28:
0x362: {  	(pc) =	sbr.rel .LBB2_45-.Ltmp28, $2  }
0x363: {  	_ =	sdelay $0x2  }
0x364: {  	v25 =	vimm.f32 $0.0e+00;
	v28 =	vmov v39;
	v19 =	vimm.f32 $0.0e+00  }
.LBB2_27:
.Ltmp29:
0x365: {  	(pc) =	sbr.rel .LBB2_34-.Ltmp29, $2  }
0x366: {  	_ =	sdelay $0x2  }
0x367: {  	v19 =	vmov v9  }
.LBB2_40:
.Ltmp30:
0x368: {  	(pc) =	sbr.rel .LBB2_45-.Ltmp30, $3  }
0x369: {  	_ =	sdelay $0x1  }
0x36a: {  	v20 =	vmov v10;
	v14 =	vmov v17;
	v10 =	vmov v15  }
0x36b: {  	v12 =	vmovc v19;
	v25 =	vimm.f32 $0.0e+00;
	v28 =	vmovc v39;
	v19 =	vimm.f32 $0.0e+00;
	v16 =	vmov v33  }
.LBB2_29:
.Ltmp31:
0x36c: {  	(pc) =	sbr.rel .LBB2_34-.Ltmp31, $2  }
0x36d: {  	_ =	sdelay $0x2  }
0x36e: {  	v19 =	vmovc v13;
	v13 =	vmovc v9;
	vm2 =	vmmov vm5;
	v20 =	vmov v11;
	v16 =	vmov v18  }
.LBB2_42:
.Ltmp32:
0x36f: {  	(pc) =	sbr.rel .LBB2_45-.Ltmp32, $2  }
0x370: {  	_ =	sdelay $0x2  }
0x371: {  	vm9 =	vmmov vm7;
	v29 =	vmovc v20;
	v20 =	vmovc v15;
	v31 =	vmov v24;
	v18 =	vmov v26  }
.LBB2_31:
.Ltmp33:
0x372: {  	(pc) =	sbr.rel .LBB2_34-.Ltmp33, $2  }
0x373: {  	_ =	sdelay $0x2  }
0x374: {  	v17 =	vmov v9;
	v18 =	vmov v11  }
.LBB2_25:
0x375: {  	_ =	sfence.sel $0x180000  }
0x376: {  	[bflag:$0x0] =	sbarrier.arrive $0xFFFF  }
0x377: {  	_ =	strace $0x90000047  }
0x378: {  	s0 =	stileid.u32;
	[bflag:$0x2] =	sbarrier.arrive $0xFFFF  }
0x379: {  	p0 =	sne.s32 s0, $0x0;
	s0 =	rddreg [dreg:$0x3]  }
0x37a: {  	s0 =	sadd.s32 @!p0 $0x100000, s0  }
0x37b: {  	[sflag:s0] =	ssyncadd.tile.s32 @!p0 $0x1;
	_ =	shalt  }
.Lfunc_end2:
_tile_overlayer_lowered:
.L_overlay_start_2:
0x37c: {  	(tag) =	ssettag $0x2  }
0x37d: {  	s0 =	rddreg [dreg:$0x0];
	s2 =	stileid.u32  }
0x37e: {  	s1 =	rddreg [dreg:$0x1];
	p0 =	sne.s32 s2, $0x0  }
0x37f: {  	s3 =	rddreg [dreg:$0x2];
	[bflag:$0x3] =	sbarrier.arrive $0xFFFF;
	s2 =	simm.s32 @!p0 $0x1C03  }
0x380: {  	[timem:s3], [sflag:s2] =	dma.local @!p0 [hbm:s0], s1  }
0x381: {  	s0 =	simm.s32 @!p0 $0x3  }
0x382: {  	_ =	swait.ge @!p0 [sflag:s0], s1  }
0x383: {  	s1 =	ssub.s32 @!p0 $0x0, s1;
	[sflag:s0] =	ssyncset.done @!p0 $0x0  }
0x384: {  	[sflag:s0] =	ssyncadd.s32 @!p0 s1  }
0x385: {  	[bflag:$0x3] =	sbarrier.arrive $0xFFFF  }
0x386: {  	_ =	shalt  }

</sc_bundles>
